<compile_context>
chip_gen: v7x
topology: tpu7x:2x2x1
jax: 0.10.2.dev20260603
libtpu: 0.0.44.dev20260713+nightly
codegen_flags: <defaults>
</compile_context>

<pallas_src>
import functools

import jax
import jax.numpy as jnp
from jax import lax
from jax.experimental import pallas as pl
from jax.experimental.pallas import tpu as pltpu
from jax.experimental.pallas import tpu_sc as plsc


@functools.cache
def _make_gather(V, D, F, B):
    assert D == 64 and B % 128 == 0
    NJC = B // 128
    NBLK = F * NJC
    info = plsc.get_sparse_core_info()
    NC, NS = info.num_cores, info.num_subcores
    NW = NC * NS
    assert NBLK % (2 * NW) == 0
    n = NBLK // NW
    mesh = plsc.VectorSubcoreMesh(core_axis_name="c", subcore_axis_name="s")

    @functools.partial(
        pl.kernel,
        mesh=mesh,
        compiler_params=pltpu.CompilerParams(
            use_tc_tiling_on_sc=False, needs_layout_passes=False
        ),
        out_type=jax.ShapeDtypeStruct((F, 8, NJC, 8, 128), jnp.float32),
        scratch_types=[
            pltpu.VMEM((128,), jnp.int32),
            pltpu.VMEM((128,), jnp.int32),
            pltpu.VMEM((128, D), jnp.float32),
            pltpu.VMEM((128, D), jnp.float32),
            pltpu.VMEM((8, 8, 129), jnp.float32),
            pltpu.VMEM((8, 8, 129), jnp.float32),
            pltpu.SemaphoreType.DMA,
            pltpu.SemaphoreType.DMA,
            pltpu.SemaphoreType.DMA,
            pltpu.SemaphoreType.DMA,
            pltpu.SemaphoreType.DMA,
            pltpu.SemaphoreType.DMA,
        ],
    )
    def k(w_hbm, idx_hbm, out_hbm,
          idx0, idx1, rows0, rows1, outb0, outb1,
          semi0, semi1, semg0, semg1, semo0, semo1):
        wid = lax.axis_index("s") * NC + lax.axis_index("c")
        iota16 = lax.iota(jnp.int32, 16)
        idxb = (idx0, idx1)
        rows = (rows0, rows1)
        outb = (outb0, outb1)
        semi = (semi0, semi1)
        semg = (semg0, semg1)
        semo = (semo0, semo1)
        g0 = wid * n

        def cp_idx(g, par):
            off = pl.multiple_of((g0 + g) << 7, 128)
            return pltpu.make_async_copy(
                idx_hbm.at[pl.ds(off, 128)], idxb[par], semi[par]
            )

        def cp_gather(par):
            return pltpu.make_async_copy(
                w_hbm.at[idxb[par]], rows[par], semg[par]
            )

        def cp_out(g, par):
            gg = g0 + g
            f = gg >> 7
            jc = gg & (NJC - 1)
            return pltpu.make_async_copy(
                outb[par].at[:, :, pl.ds(0, 128)],
                out_hbm.at[f, :, jc, :, :],
                semo[par],
            )

        dvs = [iota16 + 16 * m for m in range(4)]
        kvs = [dv >> 3 for dv in dvs]
        svs = [dv & 7 for dv in dvs]

        def transpose_block(par):
            rbuf = rows[par]
            obuf = outb[par]

            def tbody(t, carry):
                tv = jnp.full((16,), t, jnp.int32)
                for m in range(4):
                    vals = rbuf[t, pl.ds(16 * m, 16)]
                    plsc.store_scatter(obuf, [kvs[m], svs[m], tv], vals)
                return carry

            lax.fori_loop(0, 128, tbody, 0)

        cp_idx(0, 0).start()
        cp_idx(1, 1).start()
        cp_idx(0, 0).wait()
        cp_gather(0).start()

        def step(st, carry):
            for par in (0, 1):
                g = 2 * st + par

                @pl.when(g + 1 < n)
                def _():
                    cp_idx(g + 1, 1 - par).wait()
                    cp_gather(1 - par).start()

                    @pl.when(g + 2 < n)
                    def _():
                        cp_idx(g + 2, par).start()

                cp_gather(par).wait()

                @pl.when(g >= 2)
                def _():
                    cp_out(g - 2, par).wait()

                transpose_block(par)
                cp_out(g, par).start()

            return carry

        lax.fori_loop(0, n // 2, step, 0)
        cp_out(n - 2, 0).wait()
        cp_out(n - 1, 1).wait()

    return k


def kernel(weight, indices, padding_idx, scale_grad_by_freq, sparse):
    V, D = weight.shape
    B, F = indices.shape
    flatidx = indices.T.reshape(-1)
    out4 = _make_gather(V, D, F, B)(weight, flatidx)
    return out4.transpose(2, 4, 0, 1, 3).reshape(B, F, D)

# --- scband reference (transcript-rebuilt; emitter-appended) ---
"""Pipeline reference for scband-torch-ops-aten-embedding-module-66236985639502 (READ-ONLY COPY).

The authoritative reference and input builder live on the scoring server;
editing this copy changes nothing except your own understanding.
"""

import jax, jax.numpy as jnp
import numpy as np

VOCAB = 1000000
EMBED_DIM = 64
BATCH = 16384
N_FIELDS = 26


def setup_inputs(seed: int = 0) -> dict:
    key = jax.random.key(seed)
    kw, ki = jax.random.split(key)
    weight = jax.random.normal(kw, (VOCAB, EMBED_DIM), dtype=jnp.float32)
    indices = jax.random.randint(ki, (BATCH, N_FIELDS), 0, VOCAB, dtype=jnp.int32)
    return {
        "weight": weight,
        "indices": indices,
        "padding_idx": -1,
        "scale_grad_by_freq": False,
        "sparse": False,
    }


def reference(weight, indices, padding_idx, scale_grad_by_freq, sparse):
    # torch.ops.aten.embedding forward: pure row gather from the table.
    # padding_idx, scale_grad_by_freq, sparse only affect the backward pass
    # (padding_idx=-1 means no padding row; indices are all valid).
    return jnp.take(weight, indices, axis=0)

if __name__ == "__main__":
    import jax
    _d = setup_inputs()
    print(jax.jit(kernel)(*tuple(_d.values())))

</pallas_src>

<mosaic_0001>
#map = affine_map<(d0, d1) -> (0, 0)>
#map1 = affine_map<(d0, d1) -> (0)>
#map2 = affine_map<(d0, d1) -> (0, 0, 0, 0, 0)>
module attributes {stable_mosaic.version = 14 : i64} {
  func.func @k(%arg0: i32, %arg1: i32, %arg2: memref<1000000x64xf32, #tpu.memory_space<hbm>>, %arg3: memref<425984xi32, #tpu.memory_space<hbm>>, %arg4: memref<26x8x128x8x128xf32, #tpu.memory_space<hbm>>, %arg5: memref<128xi32, #tpu.memory_space<vmem>>, %arg6: memref<128xi32, #tpu.memory_space<vmem>>, %arg7: memref<128x64xf32, #tpu.memory_space<vmem>>, %arg8: memref<128x64xf32, #tpu.memory_space<vmem>>, %arg9: memref<8x8x129xf32, #tpu.memory_space<vmem>>, %arg10: memref<8x8x129xf32, #tpu.memory_space<vmem>>, %arg11: memref<!tpu.dma_semaphore, #tpu.memory_space<semaphore_mem>>, %arg12: memref<!tpu.dma_semaphore, #tpu.memory_space<semaphore_mem>>, %arg13: memref<!tpu.dma_semaphore, #tpu.memory_space<semaphore_mem>>, %arg14: memref<!tpu.dma_semaphore, #tpu.memory_space<semaphore_mem>>, %arg15: memref<!tpu.dma_semaphore, #tpu.memory_space<semaphore_mem>>, %arg16: memref<!tpu.dma_semaphore, #tpu.memory_space<semaphore_mem>>) attributes {dimension_semantics = [#tpu.dimension_semantics<core_parallel>, #tpu.dimension_semantics<subcore_parallel>], iteration_bounds = array<i64: 2, 16>, scalar_prefetch = 0 : i64, scratch_operands = 12 : i64, tpu.core_type = #tpu.core_type<sc_vector_subcore>, window_params = [{transform_indices = #map}, {transform_indices = #map1}, {transform_indices = #map2}]} {
    %mul3A = arith.constant 2 : i32
    %mul3A_0 = arith.muli %arg1, %mul3A : i32
    %add3A = arith.addi %mul3A_0, %arg0 : i32
    %iota3A = tpu.iota {dimensions = array<i32: 0>} : vector<16xi32>
    %mul3A_1 = arith.constant 104 : i32
    %mul3A_2 = arith.muli %add3A, %mul3A_1 : i32
    %add3A_3 = arith.constant 0 : i32
    %add3A_4 = vector.broadcast %add3A_3 : i32 to vector<16xi32>
    %add3A_5 = arith.addi %iota3A, %add3A_4 : vector<16xi32>
    %add3A_6 = arith.constant 16 : i32
    %add3A_7 = vector.broadcast %add3A_6 : i32 to vector<16xi32>
    %add3A_8 = arith.addi %iota3A, %add3A_7 : vector<16xi32>
    %add3A_9 = arith.constant 32 : i32
    %add3A_10 = vector.broadcast %add3A_9 : i32 to vector<16xi32>
    %add3A_11 = arith.addi %iota3A, %add3A_10 : vector<16xi32>
    %add3A_12 = arith.constant 48 : i32
    %add3A_13 = vector.broadcast %add3A_12 : i32 to vector<16xi32>
    %add3A_14 = arith.addi %iota3A, %add3A_13 : vector<16xi32>
    %shift_right_arithmetic3A = arith.constant 3 : i32
    %shift_right_arithmetic3A_15 = vector.broadcast %shift_right_arithmetic3A : i32 to vector<16xi32>
    %shift_right_arithmetic3A_16 = arith.shrsi %add3A_5, %shift_right_arithmetic3A_15 : vector<16xi32>
    %shift_right_arithmetic3A_17 = arith.constant 3 : i32
    %shift_right_arithmetic3A_18 = vector.broadcast %shift_right_arithmetic3A_17 : i32 to vector<16xi32>
    %shift_right_arithmetic3A_19 = arith.shrsi %add3A_8, %shift_right_arithmetic3A_18 : vector<16xi32>
    %shift_right_arithmetic3A_20 = arith.constant 3 : i32
    %shift_right_arithmetic3A_21 = vector.broadcast %shift_right_arithmetic3A_20 : i32 to vector<16xi32>
    %shift_right_arithmetic3A_22 = arith.shrsi %add3A_11, %shift_right_arithmetic3A_21 : vector<16xi32>
    %shift_right_arithmetic3A_23 = arith.constant 3 : i32
    %shift_right_arithmetic3A_24 = vector.broadcast %shift_right_arithmetic3A_23 : i32 to vector<16xi32>
    %shift_right_arithmetic3A_25 = arith.shrsi %add3A_14, %shift_right_arithmetic3A_24 : vector<16xi32>
    %and3A = arith.constant 7 : i32
    %and3A_26 = vector.broadcast %and3A : i32 to vector<16xi32>
    %and3A_27 = arith.andi %add3A_5, %and3A_26 : vector<16xi32>
    %and3A_28 = arith.constant 7 : i32
    %and3A_29 = vector.broadcast %and3A_28 : i32 to vector<16xi32>
    %and3A_30 = arith.andi %add3A_8, %and3A_29 : vector<16xi32>
    %and3A_31 = arith.constant 7 : i32
    %and3A_32 = vector.broadcast %and3A_31 : i32 to vector<16xi32>
    %and3A_33 = arith.andi %add3A_11, %and3A_32 : vector<16xi32>
    %and3A_34 = arith.constant 7 : i32
    %and3A_35 = vector.broadcast %and3A_34 : i32 to vector<16xi32>
    %and3A_36 = arith.andi %add3A_14, %and3A_35 : vector<16xi32>
    %add3A_37 = arith.constant 0 : i32
    %add3A_38 = arith.addi %mul3A_2, %add3A_37 : i32
    %shift_left3A = arith.constant 7 : i32
    %shift_left3A_39 = arith.shli %add3A_38, %shift_left3A : i32
    %multiple_of3A = tpu.assume_multiple %shift_left3A_39, 128 : i32
    %dma_start3A = tpu.memref_slice %arg3[%multiple_of3A] : memref<425984xi32, #tpu.memory_space<hbm>> -> memref<128xi32, #tpu.memory_space<hbm>>
    %dma_start3A_40 = tpu.memref_slice %arg3[%multiple_of3A] : memref<425984xi32, #tpu.memory_space<hbm>> -> memref<128xi32, #tpu.memory_space<hbm>>
    tpu.enqueue_dma source(%dma_start3A_40 : memref<128xi32, #tpu.memory_space<hbm>>) target(%arg5 : memref<128xi32, #tpu.memory_space<vmem>>) target_semaphore(%arg11 : memref<!tpu.dma_semaphore, #tpu.memory_space<semaphore_mem>>)
    %add3A_41 = arith.constant 1 : i32
    %add3A_42 = arith.addi %mul3A_2, %add3A_41 : i32
    %shift_left3A_43 = arith.constant 7 : i32
    %shift_left3A_44 = arith.shli %add3A_42, %shift_left3A_43 : i32
    %multiple_of3A_45 = tpu.assume_multiple %shift_left3A_44, 128 : i32
    %dma_start3A_46 = tpu.memref_slice %arg3[%multiple_of3A_45] : memref<425984xi32, #tpu.memory_space<hbm>> -> memref<128xi32, #tpu.memory_space<hbm>>
    %dma_start3A_47 = tpu.memref_slice %arg3[%multiple_of3A_45] : memref<425984xi32, #tpu.memory_space<hbm>> -> memref<128xi32, #tpu.memory_space<hbm>>
    tpu.enqueue_dma source(%dma_start3A_47 : memref<128xi32, #tpu.memory_space<hbm>>) target(%arg6 : memref<128xi32, #tpu.memory_space<vmem>>) target_semaphore(%arg12 : memref<!tpu.dma_semaphore, #tpu.memory_space<semaphore_mem>>)
    %add3A_48 = arith.constant 0 : i32
    %add3A_49 = arith.addi %mul3A_2, %add3A_48 : i32
    %shift_left3A_50 = arith.constant 7 : i32
    %shift_left3A_51 = arith.shli %add3A_49, %shift_left3A_50 : i32
    %multiple_of3A_52 = tpu.assume_multiple %shift_left3A_51, 128 : i32
    %dma_wait3A = tpu.memref_slice %arg3[%multiple_of3A_52] : memref<425984xi32, #tpu.memory_space<hbm>> -> memref<128xi32, #tpu.memory_space<hbm>>
    %dma_wait3A_53 = tpu.memref_slice %arg3[%multiple_of3A_52] : memref<425984xi32, #tpu.memory_space<hbm>> -> memref<128xi32, #tpu.memory_space<hbm>>
    tpu.wait_dma2 semaphore(%arg11 : memref<!tpu.dma_semaphore, #tpu.memory_space<semaphore_mem>>) src(%dma_wait3A_53 : memref<128xi32, #tpu.memory_space<hbm>>) dst(%arg5 : memref<128xi32, #tpu.memory_space<vmem>>)
    %dma_start3A_54 = arith.constant 0 : i32
    %dma_start3A_55 = arith.constant 0 : i32
    %dma_start3A_56 = tpu.memref_slice %arg2[%dma_start3A_54, %dma_start3A_55] : memref<1000000x64xf32, #tpu.memory_space<hbm>> -> memref<1000000x64xf32, #tpu.memory_space<hbm>>
    tpu.enqueue_indirect_dma source(%dma_start3A_56 : memref<1000000x64xf32, #tpu.memory_space<hbm>>) target(%arg7 : memref<128x64xf32, #tpu.memory_space<vmem>>) offsets(%arg5 : memref<128xi32, #tpu.memory_space<vmem>>) semaphore(%arg13 : memref<!tpu.dma_semaphore, #tpu.memory_space<semaphore_mem>>)
    %scan3A = arith.constant 0 : i32
    %scan3A_57 = arith.constant 0 : i32
    %scan3A_58 = arith.constant 52 : i32
    %scan3A_59 = arith.addi %scan3A_57, %scan3A_58 : i32
    %scan3A_60 = arith.constant 1 : i32
    scf.for %scan3A_110 = %scan3A_57 to %scan3A_59 step %scan3A_60  : i32 {
      %mul3A_111 = arith.constant 2 : i32
      %mul3A_112 = arith.muli %mul3A_111, %scan3A_110 : i32
      %add3A_113 = arith.constant 0 : i32
      %add3A_114 = arith.addi %mul3A_112, %add3A_113 : i32
      %add3A_115 = arith.constant 1 : i32
      %add3A_116 = arith.addi %add3A_114, %add3A_115 : i32
      %lt3A = arith.constant 104 : i32
      %lt3A_117 = arith.cmpi slt, %add3A_116, %lt3A : i32
      %convert_element_type3A = arith.extui %lt3A_117 : i1 to i32
      %cond3A = arith.constant 0 : i32
      %cond3A_118 = arith.cmpi ne, %convert_element_type3A, %cond3A : i32
      scf.if %cond3A_118 {
        %add3A_203 = arith.constant 1 : i32
        %add3A_204 = arith.addi %add3A_114, %add3A_203 : i32
        %add3A_205 = arith.addi %mul3A_2, %add3A_204 : i32
        %shift_left3A_206 = arith.constant 7 : i32
        %shift_left3A_207 = arith.shli %add3A_205, %shift_left3A_206 : i32
        %multiple_of3A_208 = tpu.assume_multiple %shift_left3A_207, 128 : i32
        %dma_wait3A_209 = tpu.memref_slice %arg3[%multiple_of3A_208] : memref<425984xi32, #tpu.memory_space<hbm>> -> memref<128xi32, #tpu.memory_space<hbm>>
        %dma_wait3A_210 = tpu.memref_slice %arg3[%multiple_of3A_208] : memref<425984xi32, #tpu.memory_space<hbm>> -> memref<128xi32, #tpu.memory_space<hbm>>
        tpu.wait_dma2 semaphore(%arg12 : memref<!tpu.dma_semaphore, #tpu.memory_space<semaphore_mem>>) src(%dma_wait3A_210 : memref<128xi32, #tpu.memory_space<hbm>>) dst(%arg6 : memref<128xi32, #tpu.memory_space<vmem>>)
        %dma_start3A_211 = arith.constant 0 : i32
        %dma_start3A_212 = arith.constant 0 : i32
        %dma_start3A_213 = tpu.memref_slice %arg2[%dma_start3A_211, %dma_start3A_212] : memref<1000000x64xf32, #tpu.memory_space<hbm>> -> memref<1000000x64xf32, #tpu.memory_space<hbm>>
        tpu.enqueue_indirect_dma source(%dma_start3A_213 : memref<1000000x64xf32, #tpu.memory_space<hbm>>) target(%arg8 : memref<128x64xf32, #tpu.memory_space<vmem>>) offsets(%arg6 : memref<128xi32, #tpu.memory_space<vmem>>) semaphore(%arg14 : memref<!tpu.dma_semaphore, #tpu.memory_space<semaphore_mem>>)
        %add3A_214 = arith.constant 2 : i32
        %add3A_215 = arith.addi %add3A_114, %add3A_214 : i32
        %lt3A_216 = arith.constant 104 : i32
        %lt3A_217 = arith.cmpi slt, %add3A_215, %lt3A_216 : i32
        %convert_element_type3A_218 = arith.extui %lt3A_217 : i1 to i32
        %cond3A_219 = arith.constant 0 : i32
        %cond3A_220 = arith.cmpi ne, %convert_element_type3A_218, %cond3A_219 : i32
        scf.if %cond3A_220 {
          %add3A_221 = arith.constant 2 : i32
          %add3A_222 = arith.addi %add3A_114, %add3A_221 : i32
          %add3A_223 = arith.addi %mul3A_2, %add3A_222 : i32
          %shift_left3A_224 = arith.constant 7 : i32
          %shift_left3A_225 = arith.shli %add3A_223, %shift_left3A_224 : i32
          %multiple_of3A_226 = tpu.assume_multiple %shift_left3A_225, 128 : i32
          %dma_start3A_227 = tpu.memref_slice %arg3[%multiple_of3A_226] : memref<425984xi32, #tpu.memory_space<hbm>> -> memref<128xi32, #tpu.memory_space<hbm>>
          %dma_start3A_228 = tpu.memref_slice %arg3[%multiple_of3A_226] : memref<425984xi32, #tpu.memory_space<hbm>> -> memref<128xi32, #tpu.memory_space<hbm>>
          tpu.enqueue_dma source(%dma_start3A_228 : memref<128xi32, #tpu.memory_space<hbm>>) target(%arg5 : memref<128xi32, #tpu.memory_space<vmem>>) target_semaphore(%arg11 : memref<!tpu.dma_semaphore, #tpu.memory_space<semaphore_mem>>)
        } else {
        }
      } else {
      }
      %dma_wait3A_119 = arith.constant 0 : i32
      %dma_wait3A_120 = arith.constant 0 : i32
      %dma_wait3A_121 = tpu.memref_slice %arg2[%dma_wait3A_119, %dma_wait3A_120] : memref<1000000x64xf32, #tpu.memory_space<hbm>> -> memref<1000000x64xf32, #tpu.memory_space<hbm>>
      tpu.wait_indirect_dma semaphore(%arg13 : memref<!tpu.dma_semaphore, #tpu.memory_space<semaphore_mem>>) src(%dma_wait3A_121 : memref<1000000x64xf32, #tpu.memory_space<hbm>>) dst(%arg7 : memref<128x64xf32, #tpu.memory_space<vmem>>)
      %ge3A = arith.constant 2 : i32
      %ge3A_122 = arith.cmpi sge, %add3A_114, %ge3A : i32
      %convert_element_type3A_123 = arith.extui %ge3A_122 : i1 to i32
      %cond3A_124 = arith.constant 0 : i32
      %cond3A_125 = arith.cmpi ne, %convert_element_type3A_123, %cond3A_124 : i32
      scf.if %cond3A_125 {
        %sub3A = arith.constant 2 : i32
        %sub3A_203 = arith.subi %add3A_114, %sub3A : i32
        %add3A_204 = arith.addi %mul3A_2, %sub3A_203 : i32
        %shift_right_arithmetic3A_205 = arith.constant 7 : i32
        %shift_right_arithmetic3A_206 = arith.shrsi %add3A_204, %shift_right_arithmetic3A_205 : i32
        %and3A_207 = arith.constant 127 : i32
        %and3A_208 = arith.andi %add3A_204, %and3A_207 : i32
        %dma_wait3A_209 = arith.constant 0 : i32
        %dma_wait3A_210 = arith.constant 0 : i32
        %dma_wait3A_211 = arith.constant 0 : i32
        %dma_wait3A_212 = tpu.memref_slice %arg9[%dma_wait3A_209, %dma_wait3A_210, %dma_wait3A_211] : memref<8x8x129xf32, #tpu.memory_space<vmem>> -> memref<8x8x128xf32, #tpu.memory_space<vmem>>
        %dma_wait3A_213 = arith.constant 0 : i32
        %dma_wait3A_214 = arith.constant 0 : i32
        %dma_wait3A_215 = arith.constant 0 : i32
        %dma_wait3A_216 = tpu.memref_slice %arg4[%shift_right_arithmetic3A_206, %dma_wait3A_213, %and3A_208, %dma_wait3A_214, %dma_wait3A_215] : memref<26x8x128x8x128xf32, #tpu.memory_space<hbm>> -> memref<1x8x1x8x128xf32, #tpu.memory_space<hbm>>
        %dma_wait3A_217 = tpu.memref_squeeze %dma_wait3A_216 : memref<1x8x1x8x128xf32, #tpu.memory_space<hbm>> -> memref<8x8x128xf32, #tpu.memory_space<hbm>>
        %dma_wait3A_218 = arith.constant 0 : i32
        %dma_wait3A_219 = arith.constant 0 : i32
        %dma_wait3A_220 = arith.constant 0 : i32
        %dma_wait3A_221 = tpu.memref_slice %arg4[%shift_right_arithmetic3A_206, %dma_wait3A_218, %and3A_208, %dma_wait3A_219, %dma_wait3A_220] : memref<26x8x128x8x128xf32, #tpu.memory_space<hbm>> -> memref<1x8x1x8x128xf32, #tpu.memory_space<hbm>>
        %dma_wait3A_222 = tpu.memref_squeeze %dma_wait3A_221 : memref<1x8x1x8x128xf32, #tpu.memory_space<hbm>> -> memref<8x8x128xf32, #tpu.memory_space<hbm>>
        %dma_wait3A_223 = arith.constant 0 : i32
        %dma_wait3A_224 = arith.constant 0 : i32
        %dma_wait3A_225 = arith.constant 0 : i32
        %dma_wait3A_226 = tpu.memref_slice %arg9[%dma_wait3A_223, %dma_wait3A_224, %dma_wait3A_225] : memref<8x8x129xf32, #tpu.memory_space<vmem>> -> memref<8x8x128xf32, #tpu.memory_space<vmem>>
        tpu.wait_dma2 semaphore(%arg15 : memref<!tpu.dma_semaphore, #tpu.memory_space<semaphore_mem>>) src(%dma_wait3A_226 : memref<8x8x128xf32, #tpu.memory_space<vmem>>) dst(%dma_wait3A_222 : memref<8x8x128xf32, #tpu.memory_space<hbm>>)
      } else {
      }
      %scan3A_126 = arith.constant 0 : i32
      %scan3A_127 = arith.constant 0 : i32
      %scan3A_128 = arith.constant 128 : i32
      %scan3A_129 = arith.addi %scan3A_127, %scan3A_128 : i32
      %scan3A_130 = arith.constant 1 : i32
      scf.for %scan3A_203 = %scan3A_127 to %scan3A_129 step %scan3A_130  : i32 {
        %broadcast_in_dim3A = vector.broadcast %scan3A_203 : i32 to vector<16xi32>
        %get3A = arith.index_cast %scan3A_203 : i32 to index
        %get3A_204 = arith.constant 0 : index
        %get3A_205 = tpu.vector_load %arg7[%get3A, %get3A_204] {strides = array<i32>} : memref<128x64xf32, #tpu.memory_space<vmem>>, vector<16xf32>,
        tpu.vector_store_idx %arg9[%shift_right_arithmetic3A_16, %and3A_27, %broadcast_in_dim3A], %get3A_205 : memref<8x8x129xf32, #tpu.memory_space<vmem>>[vector<16xi32>, vector<16xi32>, vector<16xi32>], vector<16xf32>,
        %get3A_206 = arith.index_cast %scan3A_203 : i32 to index
        %get3A_207 = arith.constant 16 : index
        %get3A_208 = tpu.vector_load %arg7[%get3A_206, %get3A_207] {strides = array<i32>} : memref<128x64xf32, #tpu.memory_space<vmem>>, vector<16xf32>,
        tpu.vector_store_idx %arg9[%shift_right_arithmetic3A_19, %and3A_30, %broadcast_in_dim3A], %get3A_208 : memref<8x8x129xf32, #tpu.memory_space<vmem>>[vector<16xi32>, vector<16xi32>, vector<16xi32>], vector<16xf32>,
        %get3A_209 = arith.index_cast %scan3A_203 : i32 to index
        %get3A_210 = arith.constant 32 : index
        %get3A_211 = tpu.vector_load %arg7[%get3A_209, %get3A_210] {strides = array<i32>} : memref<128x64xf32, #tpu.memory_space<vmem>>, vector<16xf32>,
        tpu.vector_store_idx %arg9[%shift_right_arithmetic3A_22, %and3A_33, %broadcast_in_dim3A], %get3A_211 : memref<8x8x129xf32, #tpu.memory_space<vmem>>[vector<16xi32>, vector<16xi32>, vector<16xi32>], vector<16xf32>,
        %get3A_212 = arith.index_cast %scan3A_203 : i32 to index
        %get3A_213 = arith.constant 48 : index
        %get3A_214 = tpu.vector_load %arg7[%get3A_212, %get3A_213] {strides = array<i32>} : memref<128x64xf32, #tpu.memory_space<vmem>>, vector<16xf32>,
        tpu.vector_store_idx %arg9[%shift_right_arithmetic3A_25, %and3A_36, %broadcast_in_dim3A], %get3A_214 : memref<8x8x129xf32, #tpu.memory_space<vmem>>[vector<16xi32>, vector<16xi32>, vector<16xi32>], vector<16xf32>,
      }
      %scan3A_131 = arith.constant 128 : i32
      %add3A_132 = arith.addi %mul3A_2, %add3A_114 : i32
      %shift_right_arithmetic3A_133 = arith.constant 7 : i32
      %shift_right_arithmetic3A_134 = arith.shrsi %add3A_132, %shift_right_arithmetic3A_133 : i32
      %and3A_135 = arith.constant 127 : i32
      %and3A_136 = arith.andi %add3A_132, %and3A_135 : i32
      %dma_start3A_137 = arith.constant 0 : i32
      %dma_start3A_138 = arith.constant 0 : i32
      %dma_start3A_139 = arith.constant 0 : i32
      %dma_start3A_140 = tpu.memref_slice %arg9[%dma_start3A_137, %dma_start3A_138, %dma_start3A_139] : memref<8x8x129xf32, #tpu.memory_space<vmem>> -> memref<8x8x128xf32, #tpu.memory_space<vmem>>
      %dma_start3A_141 = arith.constant 0 : i32
      %dma_start3A_142 = arith.constant 0 : i32
      %dma_start3A_143 = arith.constant 0 : i32
      %dma_start3A_144 = tpu.memref_slice %arg4[%shift_right_arithmetic3A_134, %dma_start3A_141, %and3A_136, %dma_start3A_142, %dma_start3A_143] : memref<26x8x128x8x128xf32, #tpu.memory_space<hbm>> -> memref<1x8x1x8x128xf32, #tpu.memory_space<hbm>>
      %dma_start3A_145 = tpu.memref_squeeze %dma_start3A_144 : memref<1x8x1x8x128xf32, #tpu.memory_space<hbm>> -> memref<8x8x128xf32, #tpu.memory_space<hbm>>
      %dma_start3A_146 = arith.constant 0 : i32
      %dma_start3A_147 = arith.constant 0 : i32
      %dma_start3A_148 = arith.constant 0 : i32
      %dma_start3A_149 = tpu.memref_slice %arg4[%shift_right_arithmetic3A_134, %dma_start3A_146, %and3A_136, %dma_start3A_147, %dma_start3A_148] : memref<26x8x128x8x128xf32, #tpu.memory_space<hbm>> -> memref<1x8x1x8x128xf32, #tpu.memory_space<hbm>>
      %dma_start3A_150 = tpu.memref_squeeze %dma_start3A_149 : memref<1x8x1x8x128xf32, #tpu.memory_space<hbm>> -> memref<8x8x128xf32, #tpu.memory_space<hbm>>
      %dma_start3A_151 = arith.constant 0 : i32
      %dma_start3A_152 = arith.constant 0 : i32
      %dma_start3A_153 = arith.constant 0 : i32
      %dma_start3A_154 = tpu.memref_slice %arg9[%dma_start3A_151, %dma_start3A_152, %dma_start3A_153] : memref<8x8x129xf32, #tpu.memory_space<vmem>> -> memref<8x8x128xf32, #tpu.memory_space<vmem>>
      tpu.enqueue_dma source(%dma_start3A_154 : memref<8x8x128xf32, #tpu.memory_space<vmem>>) target(%dma_start3A_150 : memref<8x8x128xf32, #tpu.memory_space<hbm>>) target_semaphore(%arg15 : memref<!tpu.dma_semaphore, #tpu.memory_space<semaphore_mem>>)
      %mul3A_155 = arith.constant 2 : i32
      %mul3A_156 = arith.muli %mul3A_155, %scan3A_110 : i32
      %add3A_157 = arith.constant 1 : i32
      %add3A_158 = arith.addi %mul3A_156, %add3A_157 : i32
      %add3A_159 = arith.constant 1 : i32
      %add3A_160 = arith.addi %add3A_158, %add3A_159 : i32
      %lt3A_161 = arith.constant 104 : i32
      %lt3A_162 = arith.cmpi slt, %add3A_160, %lt3A_161 : i32
      %convert_element_type3A_163 = arith.extui %lt3A_162 : i1 to i32
      %cond3A_164 = arith.constant 0 : i32
      %cond3A_165 = arith.cmpi ne, %convert_element_type3A_163, %cond3A_164 : i32
      scf.if %cond3A_165 {
        %add3A_203 = arith.constant 1 : i32
        %add3A_204 = arith.addi %add3A_158, %add3A_203 : i32
        %add3A_205 = arith.addi %mul3A_2, %add3A_204 : i32
        %shift_left3A_206 = arith.constant 7 : i32
        %shift_left3A_207 = arith.shli %add3A_205, %shift_left3A_206 : i32
        %multiple_of3A_208 = tpu.assume_multiple %shift_left3A_207, 128 : i32
        %dma_wait3A_209 = tpu.memref_slice %arg3[%multiple_of3A_208] : memref<425984xi32, #tpu.memory_space<hbm>> -> memref<128xi32, #tpu.memory_space<hbm>>
        %dma_wait3A_210 = tpu.memref_slice %arg3[%multiple_of3A_208] : memref<425984xi32, #tpu.memory_space<hbm>> -> memref<128xi32, #tpu.memory_space<hbm>>
        tpu.wait_dma2 semaphore(%arg11 : memref<!tpu.dma_semaphore, #tpu.memory_space<semaphore_mem>>) src(%dma_wait3A_210 : memref<128xi32, #tpu.memory_space<hbm>>) dst(%arg5 : memref<128xi32, #tpu.memory_space<vmem>>)
        %dma_start3A_211 = arith.constant 0 : i32
        %dma_start3A_212 = arith.constant 0 : i32
        %dma_start3A_213 = tpu.memref_slice %arg2[%dma_start3A_211, %dma_start3A_212] : memref<1000000x64xf32, #tpu.memory_space<hbm>> -> memref<1000000x64xf32, #tpu.memory_space<hbm>>
        tpu.enqueue_indirect_dma source(%dma_start3A_213 : memref<1000000x64xf32, #tpu.memory_space<hbm>>) target(%arg7 : memref<128x64xf32, #tpu.memory_space<vmem>>) offsets(%arg5 : memref<128xi32, #tpu.memory_space<vmem>>) semaphore(%arg13 : memref<!tpu.dma_semaphore, #tpu.memory_space<semaphore_mem>>)
        %add3A_214 = arith.constant 2 : i32
        %add3A_215 = arith.addi %add3A_158, %add3A_214 : i32
        %lt3A_216 = arith.constant 104 : i32
        %lt3A_217 = arith.cmpi slt, %add3A_215, %lt3A_216 : i32
        %convert_element_type3A_218 = arith.extui %lt3A_217 : i1 to i32
        %cond3A_219 = arith.constant 0 : i32
        %cond3A_220 = arith.cmpi ne, %convert_element_type3A_218, %cond3A_219 : i32
        scf.if %cond3A_220 {
          %add3A_221 = arith.constant 2 : i32
          %add3A_222 = arith.addi %add3A_158, %add3A_221 : i32
          %add3A_223 = arith.addi %mul3A_2, %add3A_222 : i32
          %shift_left3A_224 = arith.constant 7 : i32
          %shift_left3A_225 = arith.shli %add3A_223, %shift_left3A_224 : i32
          %multiple_of3A_226 = tpu.assume_multiple %shift_left3A_225, 128 : i32
          %dma_start3A_227 = tpu.memref_slice %arg3[%multiple_of3A_226] : memref<425984xi32, #tpu.memory_space<hbm>> -> memref<128xi32, #tpu.memory_space<hbm>>
          %dma_start3A_228 = tpu.memref_slice %arg3[%multiple_of3A_226] : memref<425984xi32, #tpu.memory_space<hbm>> -> memref<128xi32, #tpu.memory_space<hbm>>
          tpu.enqueue_dma source(%dma_start3A_228 : memref<128xi32, #tpu.memory_space<hbm>>) target(%arg6 : memref<128xi32, #tpu.memory_space<vmem>>) target_semaphore(%arg12 : memref<!tpu.dma_semaphore, #tpu.memory_space<semaphore_mem>>)
        } else {
        }
      } else {
      }
      %dma_wait3A_166 = arith.constant 0 : i32
      %dma_wait3A_167 = arith.constant 0 : i32
      %dma_wait3A_168 = tpu.memref_slice %arg2[%dma_wait3A_166, %dma_wait3A_167] : memref<1000000x64xf32, #tpu.memory_space<hbm>> -> memref<1000000x64xf32, #tpu.memory_space<hbm>>
      tpu.wait_indirect_dma semaphore(%arg14 : memref<!tpu.dma_semaphore, #tpu.memory_space<semaphore_mem>>) src(%dma_wait3A_168 : memref<1000000x64xf32, #tpu.memory_space<hbm>>) dst(%arg8 : memref<128x64xf32, #tpu.memory_space<vmem>>)
      %ge3A_169 = arith.constant 2 : i32
      %ge3A_170 = arith.cmpi sge, %add3A_158, %ge3A_169 : i32
      %convert_element_type3A_171 = arith.extui %ge3A_170 : i1 to i32
      %cond3A_172 = arith.constant 0 : i32
      %cond3A_173 = arith.cmpi ne, %convert_element_type3A_171, %cond3A_172 : i32
      scf.if %cond3A_173 {
        %sub3A = arith.constant 2 : i32
        %sub3A_203 = arith.subi %add3A_158, %sub3A : i32
        %add3A_204 = arith.addi %mul3A_2, %sub3A_203 : i32
        %shift_right_arithmetic3A_205 = arith.constant 7 : i32
        %shift_right_arithmetic3A_206 = arith.shrsi %add3A_204, %shift_right_arithmetic3A_205 : i32
        %and3A_207 = arith.constant 127 : i32
        %and3A_208 = arith.andi %add3A_204, %and3A_207 : i32
        %dma_wait3A_209 = arith.constant 0 : i32
        %dma_wait3A_210 = arith.constant 0 : i32
        %dma_wait3A_211 = arith.constant 0 : i32
        %dma_wait3A_212 = tpu.memref_slice %arg10[%dma_wait3A_209, %dma_wait3A_210, %dma_wait3A_211] : memref<8x8x129xf32, #tpu.memory_space<vmem>> -> memref<8x8x128xf32, #tpu.memory_space<vmem>>
        %dma_wait3A_213 = arith.constant 0 : i32
        %dma_wait3A_214 = arith.constant 0 : i32
        %dma_wait3A_215 = arith.constant 0 : i32
        %dma_wait3A_216 = tpu.memref_slice %arg4[%shift_right_arithmetic3A_206, %dma_wait3A_213, %and3A_208, %dma_wait3A_214, %dma_wait3A_215] : memref<26x8x128x8x128xf32, #tpu.memory_space<hbm>> -> memref<1x8x1x8x128xf32, #tpu.memory_space<hbm>>
        %dma_wait3A_217 = tpu.memref_squeeze %dma_wait3A_216 : memref<1x8x1x8x128xf32, #tpu.memory_space<hbm>> -> memref<8x8x128xf32, #tpu.memory_space<hbm>>
        %dma_wait3A_218 = arith.constant 0 : i32
        %dma_wait3A_219 = arith.constant 0 : i32
        %dma_wait3A_220 = arith.constant 0 : i32
        %dma_wait3A_221 = tpu.memref_slice %arg4[%shift_right_arithmetic3A_206, %dma_wait3A_218, %and3A_208, %dma_wait3A_219, %dma_wait3A_220] : memref<26x8x128x8x128xf32, #tpu.memory_space<hbm>> -> memref<1x8x1x8x128xf32, #tpu.memory_space<hbm>>
        %dma_wait3A_222 = tpu.memref_squeeze %dma_wait3A_221 : memref<1x8x1x8x128xf32, #tpu.memory_space<hbm>> -> memref<8x8x128xf32, #tpu.memory_space<hbm>>
        %dma_wait3A_223 = arith.constant 0 : i32
        %dma_wait3A_224 = arith.constant 0 : i32
        %dma_wait3A_225 = arith.constant 0 : i32
        %dma_wait3A_226 = tpu.memref_slice %arg10[%dma_wait3A_223, %dma_wait3A_224, %dma_wait3A_225] : memref<8x8x129xf32, #tpu.memory_space<vmem>> -> memref<8x8x128xf32, #tpu.memory_space<vmem>>
        tpu.wait_dma2 semaphore(%arg16 : memref<!tpu.dma_semaphore, #tpu.memory_space<semaphore_mem>>) src(%dma_wait3A_226 : memref<8x8x128xf32, #tpu.memory_space<vmem>>) dst(%dma_wait3A_222 : memref<8x8x128xf32, #tpu.memory_space<hbm>>)
      } else {
      }
      %scan3A_174 = arith.constant 0 : i32
      %scan3A_175 = arith.constant 0 : i32
      %scan3A_176 = arith.constant 128 : i32
      %scan3A_177 = arith.addi %scan3A_175, %scan3A_176 : i32
      %scan3A_178 = arith.constant 1 : i32
      scf.for %scan3A_203 = %scan3A_175 to %scan3A_177 step %scan3A_178  : i32 {
        %broadcast_in_dim3A = vector.broadcast %scan3A_203 : i32 to vector<16xi32>
        %get3A = arith.index_cast %scan3A_203 : i32 to index
        %get3A_204 = arith.constant 0 : index
        %get3A_205 = tpu.vector_load %arg8[%get3A, %get3A_204] {strides = array<i32>} : memref<128x64xf32, #tpu.memory_space<vmem>>, vector<16xf32>,
        tpu.vector_store_idx %arg10[%shift_right_arithmetic3A_16, %and3A_27, %broadcast_in_dim3A], %get3A_205 : memref<8x8x129xf32, #tpu.memory_space<vmem>>[vector<16xi32>, vector<16xi32>, vector<16xi32>], vector<16xf32>,
        %get3A_206 = arith.index_cast %scan3A_203 : i32 to index
        %get3A_207 = arith.constant 16 : index
        %get3A_208 = tpu.vector_load %arg8[%get3A_206, %get3A_207] {strides = array<i32>} : memref<128x64xf32, #tpu.memory_space<vmem>>, vector<16xf32>,
        tpu.vector_store_idx %arg10[%shift_right_arithmetic3A_19, %and3A_30, %broadcast_in_dim3A], %get3A_208 : memref<8x8x129xf32, #tpu.memory_space<vmem>>[vector<16xi32>, vector<16xi32>, vector<16xi32>], vector<16xf32>,
        %get3A_209 = arith.index_cast %scan3A_203 : i32 to index
        %get3A_210 = arith.constant 32 : index
        %get3A_211 = tpu.vector_load %arg8[%get3A_209, %get3A_210] {strides = array<i32>} : memref<128x64xf32, #tpu.memory_space<vmem>>, vector<16xf32>,
        tpu.vector_store_idx %arg10[%shift_right_arithmetic3A_22, %and3A_33, %broadcast_in_dim3A], %get3A_211 : memref<8x8x129xf32, #tpu.memory_space<vmem>>[vector<16xi32>, vector<16xi32>, vector<16xi32>], vector<16xf32>,
        %get3A_212 = arith.index_cast %scan3A_203 : i32 to index
        %get3A_213 = arith.constant 48 : index
        %get3A_214 = tpu.vector_load %arg8[%get3A_212, %get3A_213] {strides = array<i32>} : memref<128x64xf32, #tpu.memory_space<vmem>>, vector<16xf32>,
        tpu.vector_store_idx %arg10[%shift_right_arithmetic3A_25, %and3A_36, %broadcast_in_dim3A], %get3A_214 : memref<8x8x129xf32, #tpu.memory_space<vmem>>[vector<16xi32>, vector<16xi32>, vector<16xi32>], vector<16xf32>,
      }
      %scan3A_179 = arith.constant 128 : i32
      %add3A_180 = arith.addi %mul3A_2, %add3A_158 : i32
      %shift_right_arithmetic3A_181 = arith.constant 7 : i32
      %shift_right_arithmetic3A_182 = arith.shrsi %add3A_180, %shift_right_arithmetic3A_181 : i32
      %and3A_183 = arith.constant 127 : i32
      %and3A_184 = arith.andi %add3A_180, %and3A_183 : i32
      %dma_start3A_185 = arith.constant 0 : i32
      %dma_start3A_186 = arith.constant 0 : i32
      %dma_start3A_187 = arith.constant 0 : i32
      %dma_start3A_188 = tpu.memref_slice %arg10[%dma_start3A_185, %dma_start3A_186, %dma_start3A_187] : memref<8x8x129xf32, #tpu.memory_space<vmem>> -> memref<8x8x128xf32, #tpu.memory_space<vmem>>
      %dma_start3A_189 = arith.constant 0 : i32
      %dma_start3A_190 = arith.constant 0 : i32
      %dma_start3A_191 = arith.constant 0 : i32
      %dma_start3A_192 = tpu.memref_slice %arg4[%shift_right_arithmetic3A_182, %dma_start3A_189, %and3A_184, %dma_start3A_190, %dma_start3A_191] : memref<26x8x128x8x128xf32, #tpu.memory_space<hbm>> -> memref<1x8x1x8x128xf32, #tpu.memory_space<hbm>>
      %dma_start3A_193 = tpu.memref_squeeze %dma_start3A_192 : memref<1x8x1x8x128xf32, #tpu.memory_space<hbm>> -> memref<8x8x128xf32, #tpu.memory_space<hbm>>
      %dma_start3A_194 = arith.constant 0 : i32
      %dma_start3A_195 = arith.constant 0 : i32
      %dma_start3A_196 = arith.constant 0 : i32
      %dma_start3A_197 = tpu.memref_slice %arg4[%shift_right_arithmetic3A_182, %dma_start3A_194, %and3A_184, %dma_start3A_195, %dma_start3A_196] : memref<26x8x128x8x128xf32, #tpu.memory_space<hbm>> -> memref<1x8x1x8x128xf32, #tpu.memory_space<hbm>>
      %dma_start3A_198 = tpu.memref_squeeze %dma_start3A_197 : memref<1x8x1x8x128xf32, #tpu.memory_space<hbm>> -> memref<8x8x128xf32, #tpu.memory_space<hbm>>
      %dma_start3A_199 = arith.constant 0 : i32
      %dma_start3A_200 = arith.constant 0 : i32
      %dma_start3A_201 = arith.constant 0 : i32
      %dma_start3A_202 = tpu.memref_slice %arg10[%dma_start3A_199, %dma_start3A_200, %dma_start3A_201] : memref<8x8x129xf32, #tpu.memory_space<vmem>> -> memref<8x8x128xf32, #tpu.memory_space<vmem>>
      tpu.enqueue_dma source(%dma_start3A_202 : memref<8x8x128xf32, #tpu.memory_space<vmem>>) target(%dma_start3A_198 : memref<8x8x128xf32, #tpu.memory_space<hbm>>) target_semaphore(%arg16 : memref<!tpu.dma_semaphore, #tpu.memory_space<semaphore_mem>>)
    }
    %scan3A_61 = arith.constant 52 : i32
    %add3A_62 = arith.constant 102 : i32
    %add3A_63 = arith.addi %mul3A_2, %add3A_62 : i32
    %shift_right_arithmetic3A_64 = arith.constant 7 : i32
    %shift_right_arithmetic3A_65 = arith.shrsi %add3A_63, %shift_right_arithmetic3A_64 : i32
    %and3A_66 = arith.constant 127 : i32
    %and3A_67 = arith.andi %add3A_63, %and3A_66 : i32
    %dma_wait3A_68 = arith.constant 0 : i32
    %dma_wait3A_69 = arith.constant 0 : i32
    %dma_wait3A_70 = arith.constant 0 : i32
    %dma_wait3A_71 = tpu.memref_slice %arg9[%dma_wait3A_68, %dma_wait3A_69, %dma_wait3A_70] : memref<8x8x129xf32, #tpu.memory_space<vmem>> -> memref<8x8x128xf32, #tpu.memory_space<vmem>>
    %dma_wait3A_72 = arith.constant 0 : i32
    %dma_wait3A_73 = arith.constant 0 : i32
    %dma_wait3A_74 = arith.constant 0 : i32
    %dma_wait3A_75 = tpu.memref_slice %arg4[%shift_right_arithmetic3A_65, %dma_wait3A_72, %and3A_67, %dma_wait3A_73, %dma_wait3A_74] : memref<26x8x128x8x128xf32, #tpu.memory_space<hbm>> -> memref<1x8x1x8x128xf32, #tpu.memory_space<hbm>>
    %dma_wait3A_76 = tpu.memref_squeeze %dma_wait3A_75 : memref<1x8x1x8x128xf32, #tpu.memory_space<hbm>> -> memref<8x8x128xf32, #tpu.memory_space<hbm>>
    %dma_wait3A_77 = arith.constant 0 : i32
    %dma_wait3A_78 = arith.constant 0 : i32
    %dma_wait3A_79 = arith.constant 0 : i32
    %dma_wait3A_80 = tpu.memref_slice %arg4[%shift_right_arithmetic3A_65, %dma_wait3A_77, %and3A_67, %dma_wait3A_78, %dma_wait3A_79] : memref<26x8x128x8x128xf32, #tpu.memory_space<hbm>> -> memref<1x8x1x8x128xf32, #tpu.memory_space<hbm>>
    %dma_wait3A_81 = tpu.memref_squeeze %dma_wait3A_80 : memref<1x8x1x8x128xf32, #tpu.memory_space<hbm>> -> memref<8x8x128xf32, #tpu.memory_space<hbm>>
    %dma_wait3A_82 = arith.constant 0 : i32
    %dma_wait3A_83 = arith.constant 0 : i32
    %dma_wait3A_84 = arith.constant 0 : i32
    %dma_wait3A_85 = tpu.memref_slice %arg9[%dma_wait3A_82, %dma_wait3A_83, %dma_wait3A_84] : memref<8x8x129xf32, #tpu.memory_space<vmem>> -> memref<8x8x128xf32, #tpu.memory_space<vmem>>
    tpu.wait_dma2 semaphore(%arg15 : memref<!tpu.dma_semaphore, #tpu.memory_space<semaphore_mem>>) src(%dma_wait3A_85 : memref<8x8x128xf32, #tpu.memory_space<vmem>>) dst(%dma_wait3A_81 : memref<8x8x128xf32, #tpu.memory_space<hbm>>)
    %add3A_86 = arith.constant 103 : i32
    %add3A_87 = arith.addi %mul3A_2, %add3A_86 : i32
    %shift_right_arithmetic3A_88 = arith.constant 7 : i32
    %shift_right_arithmetic3A_89 = arith.shrsi %add3A_87, %shift_right_arithmetic3A_88 : i32
    %and3A_90 = arith.constant 127 : i32
    %and3A_91 = arith.andi %add3A_87, %and3A_90 : i32
    %dma_wait3A_92 = arith.constant 0 : i32
    %dma_wait3A_93 = arith.constant 0 : i32
    %dma_wait3A_94 = arith.constant 0 : i32
    %dma_wait3A_95 = tpu.memref_slice %arg10[%dma_wait3A_92, %dma_wait3A_93, %dma_wait3A_94] : memref<8x8x129xf32, #tpu.memory_space<vmem>> -> memref<8x8x128xf32, #tpu.memory_space<vmem>>
    %dma_wait3A_96 = arith.constant 0 : i32
    %dma_wait3A_97 = arith.constant 0 : i32
    %dma_wait3A_98 = arith.constant 0 : i32
    %dma_wait3A_99 = tpu.memref_slice %arg4[%shift_right_arithmetic3A_89, %dma_wait3A_96, %and3A_91, %dma_wait3A_97, %dma_wait3A_98] : memref<26x8x128x8x128xf32, #tpu.memory_space<hbm>> -> memref<1x8x1x8x128xf32, #tpu.memory_space<hbm>>
    %dma_wait3A_100 = tpu.memref_squeeze %dma_wait3A_99 : memref<1x8x1x8x128xf32, #tpu.memory_space<hbm>> -> memref<8x8x128xf32, #tpu.memory_space<hbm>>
    %dma_wait3A_101 = arith.constant 0 : i32
    %dma_wait3A_102 = arith.constant 0 : i32
    %dma_wait3A_103 = arith.constant 0 : i32
    %dma_wait3A_104 = tpu.memref_slice %arg4[%shift_right_arithmetic3A_89, %dma_wait3A_101, %and3A_91, %dma_wait3A_102, %dma_wait3A_103] : memref<26x8x128x8x128xf32, #tpu.memory_space<hbm>> -> memref<1x8x1x8x128xf32, #tpu.memory_space<hbm>>
    %dma_wait3A_105 = tpu.memref_squeeze %dma_wait3A_104 : memref<1x8x1x8x128xf32, #tpu.memory_space<hbm>> -> memref<8x8x128xf32, #tpu.memory_space<hbm>>
    %dma_wait3A_106 = arith.constant 0 : i32
    %dma_wait3A_107 = arith.constant 0 : i32
    %dma_wait3A_108 = arith.constant 0 : i32
    %dma_wait3A_109 = tpu.memref_slice %arg10[%dma_wait3A_106, %dma_wait3A_107, %dma_wait3A_108] : memref<8x8x129xf32, #tpu.memory_space<vmem>> -> memref<8x8x128xf32, #tpu.memory_space<vmem>>
    tpu.wait_dma2 semaphore(%arg16 : memref<!tpu.dma_semaphore, #tpu.memory_space<semaphore_mem>>) src(%dma_wait3A_109 : memref<8x8x128xf32, #tpu.memory_space<vmem>>) dst(%dma_wait3A_105 : memref<8x8x128xf32, #tpu.memory_space<hbm>>)
    return
  }
}

</mosaic_0001>

<sc_bundles>
// kernel: kernel.3.cloned.1.call-start
scs
__scs_entry_jumppad:
0x0: {  	(pc) =	sbr.rel $0x88, $3  }
0x1: {  	(tag) =	ssettag $0x0;
	lr =	simm.s32 $0x1  }
0x2: {  	[smem:$0x3F9F] =	sst lr;
	_ =	strace $0xD0000000  }
0x3: {  	_ = 	snop  }
0x4: {  	_ = 	snop  }
0x5: {  	_ = 	snop  }
0x6: {  	_ = 	snop  }
0x7: {  	_ = 	snop  }
__scs_overlays_trampoline_lowered:
0x8: {  	[smem:$0x3FAE] =	sst s0  }
0x9: {  	[smem:$0x3FAF] =	sst s1  }
0xa: {  	[smem:$0x3FB0] =	sst s2  }
0xb: {  	[smem:$0x3FB1] =	sst s3  }
0xc: {  	[smem:$0x3FB2] =	sst s4  }
0xd: {  	[smem:$0x3FB3] =	sst s5  }
0xe: {  	[smem:$0x3FB4] =	sst s6  }
0xf: {  	[smem:$0x3FB5] =	sst s7  }
0x10: {  	[smem:$0x3FB6] =	sst s8  }
0x11: {  	[smem:$0x3FB7] =	sst s9;
	s0 =	simm.s32 @!p0 $0x0  }
0x12: {  	s1 =	sld [smem:$0x3F9D];
	s0 =	simm.s32 @p0 $0x1  }
0x13: {  	[smem:$0x3FB8] =	sst s0;
	s0 =	simm.s32 @!p1 $0x0  }
0x14: {  	s2 =	sld [smem:$0x3F9C];
	s0 =	simm.s32 @p1 $0x1  }
0x15: {  	[smem:$0x3FB9] =	sst s0;
	s0 =	simm.s32 @!p2 $0x0  }
0x16: {  	s3 =	sld [smem:$0x3FDB];
	s0 =	simm.s32 @p2 $0x1  }
0x17: {  	s4 =	simm.s32 $0x1BF5;
	[smem:$0x3FBB] =	sst s0  }
0x18: {  	s0 =	sld [smem:$0x3F9E];
	_ =	swait.ge [sflag:s4], $0x0  }
0x19: {  	s7 =	sld [smem:$0x3F9F]  }
0x1a: {  	s8 =	sadd.s32 $0xFFFFE003, lr  }
0x1b: {  	s9 =	sadd.s32 $0xFFFFFEF7, lr;
	s5 =	simm.s32 $0xFFFFFFFF;
	p2 =	slt.u32 s8, $0xFFFFF086  }
0x1c: {  	p1 =	slt.u32 s9, $0xF7A;
	s5 =	simm.s32 @!p2 $0x0  }
0x1d: {  	s5 =	simm.s32 @p1 $0x1;
	p0 =	seq.s32 s7, s2  }
0x1e: {  	s7 =	smul.u32 @!p0 $0xF7A, s2;
	p2 =	seq.s32 @!p0 s5, $0x0  }
0x1f: {  	s9 =	smul.u32 $0xF7A, s1;
	s8 =	simm.s32 @!p0 $0x1BF5;
	p2 =	por !p2, p0  }
0x20: {  	[sflag:s8] =	ssyncset.s32 @!p0 $0xFFFFF086;
	s6 =	sadd.s32 @!p0 s3, s7;
	s7 =	simm.s32 @!p0 $0x108  }
0x21: {  	s3 =	sadd.s32 s3, s9;
	s6 =	sadd.s32 @!p0 $0x88, s6;
	s7 =	simm.s32 @p2 $0x1082  }
0x22: {  	[simem:s7], [sflag:s8] =	dma.local @!p0 [hbm:s6], $0xF7A  }
0x23: {  	s9 =	sor.u32 $0xD0000000, s2;
	s6 =	simm.s32 $0x108;
	_ =	swait.ge @!p0 [sflag:s8], $0x0  }
0x24: {  	s3 =	sadd.s32 $0x88, s3;
	s6 =	simm.s32 @!p1 $0x1082;
	[sflag:s4] =	ssyncset.s32 $0xFFFFF086  }
0x25: {  	[simem:s6], [sflag:s4] =	dma.local [hbm:s3], $0xF7A  }
0x26: {  	[smem:$0x3F9F] =	sst s1;
	(tag) =	ssettag s2;
	_ =	strace s9  }
0x27: {  	s1 =	sld [smem:$0x3FAF]  }
0x28: {  	s2 =	sld [smem:$0x3FB0]  }
0x29: {  	s4 =	sld [smem:$0x3FB2]  }
0x2a: {  	p0 =	seq.s32 s5, $0x0;
	s5 =	sld [smem:$0x3FB3]  }
0x2b: {  	s6 =	sld [smem:$0x3FB4]  }
0x2c: {  	s7 =	sld [smem:$0x3FB5]  }
0x2d: {  	s3 =	simm.s32 $0x108;
	s8 =	sld [smem:$0x3FB6]  }
0x2e: {  	s3 =	simm.s32 @!p0 $0x1082;
	s9 =	sld [smem:$0x3FB7]  }
0x2f: {  	lr =	sadd.s32 s0, s3;
	s0 =	sld [smem:$0x3FAE]  }
0x30: {  	s3 =	sld [smem:$0x3FB1]  }
0x31: {  	[smem:$0x3FBA] =	sst s10  }
0x32: {  	s10 =	sld [smem:$0x3FB8];
	_ =	sdelay $0x3  }
0x33: {  	p0 =	seq.s32 s10, $0x1;
	s10 =	sld [smem:$0x3FBA];
	_ =	sdelay $0x3  }
0x34: {  	[smem:$0x3FBA] =	sst s10  }
0x35: {  	s10 =	sld [smem:$0x3FB9];
	_ =	sdelay $0x3  }
0x36: {  	p1 =	seq.s32 s10, $0x1;
	s10 =	sld [smem:$0x3FBA];
	_ =	sdelay $0x3  }
0x37: {  	[smem:$0x3FBA] =	sst s10  }
0x38: {  	s10 =	sld [smem:$0x3FBB]  }
0x39: {  	_ = 	snop;
	(pc) =	sbr.ind lr, $3  }
0x3a: {  	_ = 	snop  }
0x3b: {  	_ = 	snop  }
0x3c: {  	p2 =	seq.s32 s10, $0x1;
	s10 =	sld [smem:$0x3FBA]  }
0x3d: {  	_ =	shalt  }
0x3e: {  	_ =	shalt  }
0x3f: {  	_ =	shalt  }
0x40: {  	_ =	shalt  }
0x41: {  	_ =	shalt  }
0x42: {  	_ =	shalt  }
0x43: {  	_ =	shalt  }
0x44: {  	_ =	shalt  }
0x45: {  	_ =	shalt  }
0x46: {  	_ =	shalt  }
0x47: {  	_ =	shalt  }
0x48: {  	_ =	shalt  }
0x49: {  	_ =	shalt  }
0x4a: {  	_ =	shalt  }
0x4b: {  	_ =	shalt  }
0x4c: {  	_ =	shalt  }
0x4d: {  	_ =	shalt  }
0x4e: {  	_ =	shalt  }
0x4f: {  	_ =	shalt  }
0x50: {  	_ =	shalt  }
0x51: {  	_ =	shalt  }
0x52: {  	_ =	shalt  }
0x53: {  	_ =	shalt  }
0x54: {  	_ =	shalt  }
0x55: {  	_ =	shalt  }
0x56: {  	_ =	shalt  }
0x57: {  	_ =	shalt  }
0x58: {  	_ =	shalt  }
0x59: {  	_ =	shalt  }
0x5a: {  	_ =	shalt  }
0x5b: {  	_ =	shalt  }
0x5c: {  	_ =	shalt  }
0x5d: {  	_ =	shalt  }
0x5e: {  	_ =	shalt  }
0x5f: {  	_ =	shalt  }
0x60: {  	_ =	shalt  }
0x61: {  	_ =	shalt  }
0x62: {  	_ =	shalt  }
0x63: {  	_ =	shalt  }
0x64: {  	_ =	shalt  }
0x65: {  	_ =	shalt  }
0x66: {  	_ =	shalt  }
0x67: {  	_ =	shalt  }
0x68: {  	_ =	shalt  }
0x69: {  	_ =	shalt  }
0x6a: {  	_ =	shalt  }
0x6b: {  	_ =	shalt  }
0x6c: {  	_ =	shalt  }
0x6d: {  	_ =	shalt  }
0x6e: {  	_ =	shalt  }
0x6f: {  	_ =	shalt  }
0x70: {  	_ =	shalt  }
0x71: {  	_ =	shalt  }
0x72: {  	_ =	shalt  }
0x73: {  	_ =	shalt  }
0x74: {  	_ =	shalt  }
0x75: {  	_ =	shalt  }
0x76: {  	_ =	shalt  }
0x77: {  	_ =	shalt  }
0x78: {  	_ =	shalt  }
0x79: {  	_ =	shalt  }
0x7a: {  	_ =	shalt  }
0x7b: {  	_ =	shalt  }
0x7c: {  	_ =	shalt  }
0x7d: {  	_ =	shalt  }
0x7e: {  	_ =	shalt  }
0x7f: {  	_ =	shalt  }
0x80: {  	_ =	shalt  }
0x81: {  	_ =	shalt  }
0x82: {  	_ =	shalt  }
0x83: {  	_ =	shalt  }
0x84: {  	_ =	shalt  }
0x85: {  	_ =	shalt  }
0x86: {  	_ =	shalt  }
0x87: {  	_ =	shalt  }
.Lfunc_end0:
.L_simem_size_0:
called_computation_lowered:
.L_overlay_start_0:
0x88: {  	s2 =	sld [smem:$0x3FD9]  }
0x89: {  	s3 =	sld [smem:$0x3FFE];
	_ =	sdelay $0x1  }
0x8a: {  	s1 =	srdreg.scid  }
0x8b: {  	s0 =	sand.u32 $0x1, s1  }
0x8c: {  	s17 =	sshll.u32 s0, $0xA;
	s2 =	sadd.s32 s3, s2  }
0x8d: {  	s2 =	sadd.s32 s2, s17  }
0x8e: {  	[smem:$0x3FC6] =	sst s2  }
0x8f: {  	_ = 	snop  }
0x90: {  	s2 =	sld [smem:$0x3FD0];
	(tm) =	ssettm $0x1  }
0x91: {  	s18 =	sld [smem:$0x3FFB];
	_ =	sdelay $0x3  }
0x92: {  	_ =	strace s18  }
0x93: {  	s3 =	sld [smem:$0x3FFC];
	_ =	sdelay $0x3  }
0x94: {  	_ =	strace s3  }
0x95: {  	s3 =	sld [smem:$0x3FFD];
	_ =	sdelay $0x3  }
0x96: {  	_ =	strace s3  }
0x97: {  	_ =	strace $0x8FFFFFFF  }
0x98: {  	s19 =	sld [smem:$0x3FDB];
	_ =	sdelay $0x1  }
0x99: {  	s4 =	simm.s32 $_scs_section_size  }
0x9a: {  	s5 =	simm.s32 $_size__tile_overlayer_lowered;
	s6 =	simm.s32 $_tile_overlayer_lowered  }
0x9b: {  	s22 =	simm.s32 $0x1BFF;
	s21 =	sshll.u32 s6, $0x1;
	s3 =	sadd.s32 s4, s19  }
0x9c: {  	s7 =	simm.s32 $0x0;
	s20 =	sshll.u32 s5, $0x1;
	s5 =	sadd.s32 s21, s3  }
0x9d: {  	[timem:s7], [sflag:s22] =	dma.local [hbm:s5], s20  }
0x9e: {  	_ =	swait.ge [sflag:s22], s20  }
0x9f: {  	s4 =	ssub.s32 $0x0, s20;
	[sflag:s22] =	ssyncset.done $0x0  }
0xa0: {  	[sflag:s22] =	ssyncadd.s32 s4;
	_ =	sdelay $0x1  }
0xa1: {  	s23 =	simm.s32 $0x1B8B  }
0xa2: {  	_ =	swait.ge [sflag:s23], $0x1  }
0xa3: {  	[sflag:s23] =	ssyncset.done $0x0  }
0xa4: {  	s25 =	simm.s32 $0x1B8E;
	s24 =	sld [smem:$0x3FFE];
	[sflag:s23] =	ssyncadd.s32 $0xFFFFFFFF  }
0xa5: {  	s26 =	simm.s32 $execute0_lowered;
	[smem:$0x3FD2] =	sst s25  }
0xa6: {  	s5 =	sshll.u32 s26, $0x1;
	_ =	strace $0x80000046;
	[dreg:$0x1] =	wrdreg $0xFFFFFFFF  }
0xa7: {  	s28 =	simm.s32 $_size_execute0_lowered;
	s3 =	sadd.s32 s3, s5;
	[dreg:$0x0] =	wrdreg $0x0  }
0xa8: {  	s5 =	sshll.u32 s28, $0x1;
	[dreg:$0x2] =	wrdreg s3  }
0xa9: {  	[dreg:$0x3] =	wrdreg s5  }
0xaa: {  	[dreg:$0x4] =	wrdreg $0xC0  }
0xab: {  	_ =	task [dreg:s7], $0x5FFFF  }
0xac: {  	[dreg:$0x1] =	wrdreg $0xFFFFFFFF  }
0xad: {  	[dreg:$0x0] =	wrdreg $0x60  }
0xae: {  	[dreg:$0x2] =	wrdreg s24  }
0xaf: {  	[dreg:$0x3] =	wrdreg s2  }
0xb0: {  	[dreg:$0x4] =	wrdreg $0x9  }
0xb1: {  	_ =	task.clear_ibuf [dreg:s7], $0x5FFFF;
	_ =	strace $0x90000046  }
0xb2: {  	s29 =	simm.s32 $0x9;
	_ =	strace $0x80000048  }
0xb3: {  	_ =	swait.ge [sflag:s29], $0x1  }
0xb4: {  	[sflag:s29] =	ssyncadd.s32 $0xFFFFFFFF  }
0xb5: {  	_ =	strace $0x90000048  }
0xb6: {  	_ =	sfence  }
0xb7: {  	s30 =	sld [smem:$0x0];
	_ =	sdelay $0x2  }
0xb8: {  	s31 =	sshll.u32 s1, $0xD;
	s1 =	sshrl.u32 s1, $0x2  }
0xb9: {  	s3 =	sand.u32 $0x4000, s31;
	s1 =	sadd.s32 s1, s30  }
0xba: {  	s0 =	sor.u32 s3, s0;
	s1 =	sshll.u32 s1, $0x11  }
0xbb: {  	s0 =	sor.u32 s1, s0  }
0xbc: {  	s0 =	sadd.s32 $0x8F2B, s0  }
0xbd: {  	[sflag:s0] =	ssyncadd.remote.s32 $0x1  }
0xbe: {  	_ =	sfence.sel $0xFFFF  }
0xbf: {  	[dreg:$0x0] =	wrdreg $0xFFFFFFFF;
	(pc) =	sbr.abs _section_cstart, $3  }
0xc0: {  	[dreg:$0x1] =	wrdreg $0xFFFFFFFF  }
0xc1: {  	_ =	task.clear_ibuf [dreg:s7], $0x2FFFF;
	_ =	strace $0x9FFFFFFF  }
0xc2: {  	(tm) =	ssettm $0x7FFFFFFF  }
0xc3: {  	_ =	shalt  }
tec
execute0_lowered:
.L_overlay_start_1:
0x0: {  	(tag) =	ssettag $0x1  }
0x1: {  	s1 =	rddreg [dreg:$0x0];
	s3 =	srdreg.scid  }
0x2: {  	s0 =	stileid.u32;
	s2 =	rddreg [dreg:$0x1]  }
0x3: {  	s12 =	simm.s32 $0x80;
	s13 =	simm.s32 $0x1;
	s14 =	simm.s32 $0x100  }
0x4: {  	s15 =	simm.s32 $0x2;
	s16 =	simm.s32 $0x2100;
	s17 =	simm.s32 $0x3  }
0x5: {  	s18 =	simm.s32 $0x4100;
	s19 =	simm.s32 $0x4;
	s20 =	simm.s32 $0x6  }
0x6: {  	s21 =	simm.s32 $0x6300;
	s5 =	sand.u32 $0x1, s3;
	s4 =	sshll.u32 s0, $0x1  }
0x7: {  	s22 =	simm.s32 $0x5;
	s23 =	simm.s32 $0x0;
	s6 =	sor.u32 s5, s4  }
0x8: {  	s3 =	simm.s32 $0x0;
	s8 =	ssub.s32 $0x2, s5;
	s7 =	smul.u32 $0x680, s6  }
0x9: {  	v0 =	vlaneseq.u32;
	[smem:$0x7FF] =	sst s3;
	s9 =	sshrl.u32 s8, $0x1;
	s5 =	smul.u32 $0x68, s6  }
0xa: {  	v0 =	vmul.u32 $0x88, v0;
	s4 =	sadd.s32 $0x600, s1;
	_ =	strace $0x80000047;
	s31 =	ssub.s32 s8, s9  }
0xb: {  	s6 =	sadd.s32 s4, s7;
	s7 =	sadd.s32 $0xF42A00, s1;
	s9 =	sor.u32 $0x2, s5  }
0xc: {  	v1 =	vadd.s32 $0x880, v0;
	v2 =	vadd.s32 $0x1100, v0;
	v3 =	vadd.s32 $0x1980, v0;
	s10 =	sor.u32 $0x3, s5;
	s11 =	smax.u32 s31, $0x1;
	s8 =	sadd.s32 $0x10, s6  }
.LBB2_1:
0xd: {  	[tilespmem:s3], [sflag:$0x1] =	stream.linear.gather [hbm4b:s6+s3], $0x80, $0x38;
	[tilespmem:$0x8500] =	vst v63  }
0xe: {  	_ = 	snop  }
0xf: {  	[tilespmem:s12], [sflag:$0x2] =	stream.linear.gather [hbm4b:s8+s3], $0x80, $0x38;
	[tilespmem:$0x8500] =	vst v63  }
0x10: {  	_ =	swait.ge [sflag:s13], $0x80  }
0x11: {  	[sflag:s13] =	ssyncset.done $0x0  }
0x12: {  	s24 =	simm.s32 $0x0;
	[sflag:s13] =	ssyncadd.s32 $0xFFFFFF80  }
0x13: {  	[tilespmem:s14], [sflag:$0x3] =	stream.indirect.gather [hbm4b:s7+s12], $0x40, s3, s12, $0xb8;
	[tilespmem:$0x8500] =	vst v63  }
.LBB2_2:
0x14: {  	_ =	swait.ge [sflag:s15], $0x80;
	s26 =	sshll.u32 s24, $0x1;
	p0 =	seq.s32 s24, $0x33  }
0x15: {  	[sflag:s15] =	ssyncset.done $0x0;
	s1 =	sadd.s32 @!p0 s26, s9  }
0x16: {  	[sflag:s15] =	ssyncadd.s32 $0xFFFFFF80;
	s1 =	sshll.u32 @!p0 s1, $0x4  }
0x17: {  	[tilespmem:s16], [sflag:$0x4] =	stream.indirect.gather [hbm4b:s7+s12], $0x40, s12, s12, $0xb8;
	[tilespmem:$0x8500] =	vst v63  }
0x18: {  	s1 =	sand.u32 @!p0 $0x1FFFFFE0, s1  }
0x19: {  	s25 =	simm.s32 @!p0 $0x0;
	s1 =	sadd.s32 @!p0 s4, s1  }
0x1a: {  	[tilespmem:s25], [sflag:$0x1] =	stream.linear.gather @!p0 [hbm4b:s1+s25], $0x80, $0x38;
	[tilespmem:$0x8500] =	vst v63  }
0x1b: {  	_ =	swait.ge [sflag:s17], $0x2000  }
0x1c: {  	p0 =	seq.s32 s24, $0x0;
	[sflag:s17] =	ssyncset.done $0x0  }
0x1d: {  	s1 =	simm.s32 @!p0 $0x5;
	[sflag:s17] =	ssyncadd.s32 $0xFFFFE000  }
0x1e: {  	s30 =	simm.s32 $0x0;
	_ =	swait.ge @!p0 [sflag:s1], $0x2000  }
0x1f: {  	v4 =	vmov s30;
	[sflag:s1] =	ssyncset.done @!p0 $0x0  }
0x20: {  	s28 =	simm.s32 $0x120;
	v5 =	vand.u32 $0x7F, v4;
	[sflag:s1] =	ssyncadd.s32 @!p0 $0xFFFFE000  }
0x21: {  	v6 =	vadd.s32 v0, v5;
	v4 =	vld [tilespmem:s28+$0xFFFFFFE0];
	_ =	sdelay $0x4  }
0x22: {  	[tilespmem:v6+s18+$0x0] =	vst.idx.msk $0xffff, v4  }
0x23: {  	v6 =	vadd.s32 v1, v5;
	v4 =	vld [tilespmem:s28+$0xFFFFFFF0];
	_ =	sdelay $0x4  }
0x24: {  	[tilespmem:v6+s18+$0x0] =	vst.idx.msk $0xffff, v4  }
0x25: {  	v6 =	vadd.s32 v2, v5;
	v4 =	vld [tilespmem:s28+$0x0];
	_ =	sdelay $0x4  }
0x26: {  	[tilespmem:v6+s18+$0x0] =	vst.idx.msk $0xffff, v4  }
0x27: {  	v5 =	vadd.s32 v3, v5;
	v4 =	vld [tilespmem:s28+$0x10];
	_ =	sdelay $0x2  }
0x28: {  	s31 =	simm.s32 $0x1  }
0x29: {  	s29 =	simm.s32 $0x2;
	s25 =	sshllo.u32 s24, $0x1;
	v6 =	vmov s31  }
.LBB2_3:
0x2a: {  	p1 =	sne.s32 s29, $0x7F;
	v6 =	vand.u32 $0x7F, v6;
	[tilespmem:v5+s18+$0x0] =	vst.idx.msk $0xffff, v4;
	s28 =	sadd.s32 $0x40, s28  }
0x2b: {  	v4 =	vld [tilespmem:s28+$0xFFFFFFE0];
	v5 =	vadd.s32 v0, v6;
	_ =	sdelay $0x4  }
0x2c: {  	[tilespmem:v5+s18+$0x0] =	vst.idx.msk $0xffff, v4  }
0x2d: {  	v5 =	vadd.s32 v1, v6;
	v4 =	vld [tilespmem:s28+$0xFFFFFFF0];
	_ =	sdelay $0x4  }
0x2e: {  	[tilespmem:v5+s18+$0x0] =	vst.idx.msk $0xffff, v4  }
0x2f: {  	v5 =	vadd.s32 v2, v6;
	v4 =	vld [tilespmem:s28+$0x0];
	_ =	sdelay $0x4  }
0x30: {  	[tilespmem:v5+s18+$0x0] =	vst.idx.msk $0xffff, v4  }
.Ltmp0:
0x31: {  	v5 =	vadd.s32 v3, v6;
	v4 =	vld [tilespmem:s28+$0x10];
	(pc) =	sbr.rel @p1 .LBB2_3-.Ltmp0, $2  }
0x32: {  	_ =	sdelay $0x2  }
0x33: {  	v6 =	vmov s29;
	s29 =	sadd.s32 $0x1, s29  }
0x34: {  	_ =	sdelay $0x3  }
0x35: {  	v6 =	vand.u32 $0x7F, v6;
	[tilespmem:v5+s18+$0x0] =	vst.idx.msk $0xffff, v4;
	s1 =	sadd.s32 $0x40, s28  }
0x36: {  	v4 =	vld [tilespmem:s1+$0xFFFFFFE0];
	v5 =	vadd.s32 v0, v6;
	_ =	sdelay $0x4  }
0x37: {  	[tilespmem:v5+s18+$0x0] =	vst.idx.msk $0xffff, v4  }
0x38: {  	v5 =	vadd.s32 v1, v6;
	v4 =	vld [tilespmem:s1+$0xFFFFFFF0];
	_ =	sdelay $0x4  }
0x39: {  	[tilespmem:v5+s18+$0x0] =	vst.idx.msk $0xffff, v4  }
0x3a: {  	v5 =	vadd.s32 v2, v6;
	v4 =	vld [tilespmem:s1+$0x0];
	_ =	sdelay $0x4  }
0x3b: {  	[tilespmem:v5+s18+$0x0] =	vst.idx.msk $0xffff, v4  }
0x3c: {  	v5 =	vadd.s32 v3, v6;
	v4 =	vld [tilespmem:s1+$0x10]  }
0x3d: {  	s0 =	sadd.s32 s5, s26  }
0x3e: {  	s28 =	sshll.u32 s0, $0x7  }
0x3f: {  	s28 =	sand.u32 $0x3F00, s28;
	s1 =	sshll.u32 s0, $0xA  }
0x40: {  	s28 =	sadd.s32 s2, s28;
	s1 =	sand.u32 $0xFFE0000, s1  }
0x41: {  	s0 =	simm.s32 $0x4100;
	s29 =	sadd.s32 s1, s28;
	[tilespmem:v5+s18+$0x0] =	vst.idx.msk $0xffff, v4  }
0x42: {  	[hbm4b:s29+s3] =	stream.linear.scatter [tilespmem:s0], [sflag:$0x5], $0x80, $0x38;
	[tilespmem:$0x8500] =	vst v63  }
0x43: {  	s28 =	sadd.s32 $0x10, s29;
	s0 =	simm.s32 $0x4188  }
0x44: {  	[hbm4b:s28+s3] =	stream.linear.scatter [tilespmem:s0], [sflag:$0x5], $0x80, $0x38;
	[tilespmem:$0x8500] =	vst v63  }
0x45: {  	s0 =	simm.s32 $0x4210;
	s28 =	sadd.s32 $0x20, s29  }
0x46: {  	[hbm4b:s28+s3] =	stream.linear.scatter [tilespmem:s0], [sflag:$0x5], $0x80, $0x38;
	[tilespmem:$0x8500] =	vst v63  }
0x47: {  	s0 =	simm.s32 $0x4298;
	s28 =	sadd.s32 $0x30, s29  }
0x48: {  	[hbm4b:s28+s3] =	stream.linear.scatter [tilespmem:s0], [sflag:$0x5], $0x80, $0x38;
	[tilespmem:$0x8500] =	vst v63  }
0x49: {  	s0 =	simm.s32 $0x4320;
	s28 =	sadd.s32 $0x40, s29  }
0x4a: {  	[hbm4b:s28+s3] =	stream.linear.scatter [tilespmem:s0], [sflag:$0x5], $0x80, $0x38;
	[tilespmem:$0x8500] =	vst v63  }
0x4b: {  	s30 =	simm.s32 $0x2200;
	s0 =	simm.s32 $0x43A8;
	s28 =	sadd.s32 $0x50, s29  }
0x4c: {  	[hbm4b:s28+s3] =	stream.linear.scatter [tilespmem:s0], [sflag:$0x5], $0x80, $0x38;
	[tilespmem:$0x8500] =	vst v63  }
0x4d: {  	s31 =	simm.s32 $0x44B8;
	s0 =	simm.s32 $0x4430;
	s28 =	sadd.s32 $0x60, s29  }
0x4e: {  	[hbm4b:s28+s3] =	stream.linear.scatter [tilespmem:s0], [sflag:$0x5], $0x80, $0x38;
	[tilespmem:$0x8500] =	vst v63  }
0x4f: {  	s1 =	sadd.s32 $0x70, s29;
	s29 =	sadd.s32 $0x4000, s29;
	s28 =	simm.s32 $0x440  }
.LBB2_5:
0x50: {  	[hbm4b:s1+s3] =	stream.linear.scatter [tilespmem:s31], [sflag:$0x5], $0x80, $0x38;
	[tilespmem:$0x8500] =	vst v63  }
0x51: {  	s1 =	smov.u32 s28;
	s28 =	smov.u32 s30  }
0x52: {  	s0 =	sadd.s32 $0x1100, s30;
	s28 =	sshra.s32 s28, $0x2;
	s31 =	sadd.s32 $0x4100, s1  }
0x53: {  	[hbm4b:s29+s3] =	stream.linear.scatter [tilespmem:s31], [sflag:$0x5], $0x80, $0x38;
	[tilespmem:$0x8500] =	vst v63  }
0x54: {  	p1 =	sne.s32 s30, $0x7700;
	s30 =	sadd.s32 $0x4188, s1;
	s31 =	sadd.s32 $0x10, s29  }
0x55: {  	[hbm4b:s31+s3] =	stream.linear.scatter [tilespmem:s30], [sflag:$0x5], $0x80, $0x38;
	[tilespmem:$0x8500] =	vst v63  }
0x56: {  	s30 =	sadd.s32 $0x4210, s1;
	s31 =	sadd.s32 $0x20, s29  }
0x57: {  	[hbm4b:s31+s3] =	stream.linear.scatter [tilespmem:s30], [sflag:$0x5], $0x80, $0x38;
	[tilespmem:$0x8500] =	vst v63  }
0x58: {  	s30 =	sadd.s32 $0x4298, s1;
	s31 =	sadd.s32 $0x30, s29  }
0x59: {  	[hbm4b:s31+s3] =	stream.linear.scatter [tilespmem:s30], [sflag:$0x5], $0x80, $0x38;
	[tilespmem:$0x8500] =	vst v63  }
0x5a: {  	s30 =	sadd.s32 $0x4320, s1;
	s31 =	sadd.s32 $0x40, s29  }
0x5b: {  	[hbm4b:s31+s3] =	stream.linear.scatter [tilespmem:s30], [sflag:$0x5], $0x80, $0x38;
	[tilespmem:$0x8500] =	vst v63  }
0x5c: {  	s30 =	sadd.s32 $0x43A8, s1;
	s31 =	sadd.s32 $0x50, s29  }
0x5d: {  	[hbm4b:s31+s3] =	stream.linear.scatter [tilespmem:s30], [sflag:$0x5], $0x80, $0x38;
	[tilespmem:$0x8500] =	vst v63  }
.Ltmp1:
0x5e: {  	_ = 	snop;
	(pc) =	sbr.rel @p1 .LBB2_5-.Ltmp1, $4  }
0x5f: {  	s30 =	sadd.s32 $0x4430, s1;
	s31 =	sadd.s32 $0x60, s29  }
0x60: {  	[hbm4b:s31+s3] =	stream.linear.scatter [tilespmem:s30], [sflag:$0x5], $0x80, $0x38;
	[tilespmem:$0x8500] =	vst v63  }
0x61: {  	s31 =	sadd.s32 $0x44B8, s1  }
0x62: {  	s1 =	sadd.s32 $0x70, s29;
	s29 =	sadd.s32 $0x4000, s29;
	s30 =	smov.u32 s0  }
0x63: {  	[hbm4b:s1+s3] =	stream.linear.scatter [tilespmem:s31], [sflag:$0x5], $0x80, $0x38;
	[tilespmem:$0x8500] =	vst v63  }
0x64: {  	s0 =	sadd.s32 $0x4100, s28  }
0x65: {  	[hbm4b:s29+s3] =	stream.linear.scatter [tilespmem:s0], [sflag:$0x5], $0x80, $0x38;
	[tilespmem:$0x8500] =	vst v63  }
0x66: {  	s30 =	sadd.s32 $0x4188, s28;
	s31 =	sadd.s32 $0x10, s29  }
0x67: {  	[hbm4b:s31+s3] =	stream.linear.scatter [tilespmem:s30], [sflag:$0x5], $0x80, $0x38;
	[tilespmem:$0x8500] =	vst v63  }
0x68: {  	s30 =	sadd.s32 $0x4210, s28;
	s31 =	sadd.s32 $0x20, s29  }
0x69: {  	[hbm4b:s31+s3] =	stream.linear.scatter [tilespmem:s30], [sflag:$0x5], $0x80, $0x38;
	[tilespmem:$0x8500] =	vst v63  }
0x6a: {  	s30 =	sadd.s32 $0x4298, s28;
	s31 =	sadd.s32 $0x30, s29  }
0x6b: {  	[hbm4b:s31+s3] =	stream.linear.scatter [tilespmem:s30], [sflag:$0x5], $0x80, $0x38;
	[tilespmem:$0x8500] =	vst v63  }
0x6c: {  	s30 =	sadd.s32 $0x4320, s28;
	s31 =	sadd.s32 $0x40, s29  }
0x6d: {  	[hbm4b:s31+s3] =	stream.linear.scatter [tilespmem:s30], [sflag:$0x5], $0x80, $0x38;
	[tilespmem:$0x8500] =	vst v63  }
0x6e: {  	p1 =	sne.s32 s24, $0x33;
	s30 =	sadd.s32 $0x43A8, s28;
	s31 =	sadd.s32 $0x50, s29  }
0x6f: {  	[hbm4b:s31+s3] =	stream.linear.scatter [tilespmem:s30], [sflag:$0x5], $0x80, $0x38;
	[tilespmem:$0x8500] =	vst v63  }
.Ltmp2:
0x70: {  	_ = 	snop;
	(pc) =	sbr.rel @p1 .LBB2_8-.Ltmp2, $4  }
0x71: {  	s30 =	sadd.s32 $0x4430, s28;
	s31 =	sadd.s32 $0x60, s29  }
0x72: {  	[hbm4b:s31+s3] =	stream.linear.scatter [tilespmem:s30], [sflag:$0x5], $0x80, $0x38;
	[tilespmem:$0x8500] =	vst v63  }
0x73: {  	s30 =	sadd.s32 $0x44B8, s28;
	s31 =	sadd.s32 $0x70, s29  }
0x74: {  	[hbm4b:s31+s3] =	stream.linear.scatter [tilespmem:s30], [sflag:$0x5], $0x80, $0x38;
	[tilespmem:$0x8500] =	vst v63  }
.Ltmp3:
0x75: {  	(pc) =	sbr.rel .LBB2_9-.Ltmp3, $4  }
0x76: {  	_ = 	snop  }
0x77: {  	_ =	swait.ge [sflag:s19], $0x2000  }
0x78: {  	[sflag:s19] =	ssyncset.done $0x0  }
0x79: {  	[sflag:s19] =	ssyncadd.s32 $0xFFFFE000  }
.LBB2_8:
0x7a: {  	_ =	swait.ge [sflag:s13], $0x80;
	s0 =	sadd.s32 s26, s10  }
0x7b: {  	[sflag:s13] =	ssyncset.done $0x0;
	s0 =	sshll.u32 s0, $0x4  }
0x7c: {  	[sflag:s13] =	ssyncadd.s32 $0xFFFFFF80;
	s0 =	sand.u32 $0x1FFFFFF0, s0  }
0x7d: {  	[tilespmem:s14], [sflag:$0x3] =	stream.indirect.gather [hbm4b:s7+s12], $0x40, s3, s12, $0xb8;
	[tilespmem:$0x8500] =	vst v63  }
.Ltmp4:
0x7e: {  	s0 =	sadd.s32 s4, s0;
	(pc) =	sbr.rel @p0 .LBB2_10-.Ltmp4, $4  }
0x7f: {  	[tilespmem:s12], [sflag:$0x2] =	stream.linear.gather [hbm4b:s0+s3], $0x80, $0x38;
	[tilespmem:$0x8500] =	vst v63  }
0x80: {  	_ =	swait.ge [sflag:s19], $0x2000  }
0x81: {  	[sflag:s19] =	ssyncset.done $0x0  }
0x82: {  	[sflag:s19] =	ssyncadd.s32 $0xFFFFE000  }
.LBB2_9:
0x83: {  	_ =	swait.ge [sflag:s20], $0x2000  }
0x84: {  	[sflag:s20] =	ssyncset.done $0x0  }
0x85: {  	[sflag:s20] =	ssyncadd.s32 $0xFFFFE000  }
.LBB2_10:
0x86: {  	s0 =	simm.s32 $0x0  }
0x87: {  	v4 =	vmov s0  }
0x88: {  	s26 =	simm.s32 $0x2120;
	v5 =	vand.u32 $0x7F, v4  }
0x89: {  	v4 =	vld [tilespmem:s26+$0xFFFFFFE0];
	v6 =	vadd.s32 v0, v5;
	_ =	sdelay $0x4  }
0x8a: {  	[tilespmem:v6+s21+$0x0] =	vst.idx.msk $0xffff, v4  }
0x8b: {  	v6 =	vadd.s32 v1, v5;
	v4 =	vld [tilespmem:s26+$0xFFFFFFF0];
	_ =	sdelay $0x4  }
0x8c: {  	[tilespmem:v6+s21+$0x0] =	vst.idx.msk $0xffff, v4  }
0x8d: {  	v6 =	vadd.s32 v2, v5;
	v4 =	vld [tilespmem:s26+$0x0];
	_ =	sdelay $0x4  }
0x8e: {  	[tilespmem:v6+s21+$0x0] =	vst.idx.msk $0xffff, v4  }
0x8f: {  	v5 =	vadd.s32 v3, v5;
	v4 =	vld [tilespmem:s26+$0x10];
	_ =	sdelay $0x2  }
0x90: {  	s31 =	simm.s32 $0x1  }
0x91: {  	s28 =	simm.s32 $0x2;
	v6 =	vmov s31  }
.LBB2_11:
0x92: {  	p0 =	sne.s32 s28, $0x7F;
	v6 =	vand.u32 $0x7F, v6;
	[tilespmem:v5+s21+$0x0] =	vst.idx.msk $0xffff, v4;
	s26 =	sadd.s32 $0x40, s26  }
0x93: {  	v4 =	vld [tilespmem:s26+$0xFFFFFFE0];
	v5 =	vadd.s32 v0, v6;
	_ =	sdelay $0x4  }
0x94: {  	[tilespmem:v5+s21+$0x0] =	vst.idx.msk $0xffff, v4  }
0x95: {  	v5 =	vadd.s32 v1, v6;
	v4 =	vld [tilespmem:s26+$0xFFFFFFF0];
	_ =	sdelay $0x4  }
0x96: {  	[tilespmem:v5+s21+$0x0] =	vst.idx.msk $0xffff, v4  }
0x97: {  	v5 =	vadd.s32 v2, v6;
	v4 =	vld [tilespmem:s26+$0x0];
	_ =	sdelay $0x4  }
0x98: {  	[tilespmem:v5+s21+$0x0] =	vst.idx.msk $0xffff, v4  }
.Ltmp5:
0x99: {  	v5 =	vadd.s32 v3, v6;
	v4 =	vld [tilespmem:s26+$0x10];
	(pc) =	sbr.rel @p0 .LBB2_11-.Ltmp5, $2  }
0x9a: {  	_ =	sdelay $0x2  }
0x9b: {  	v6 =	vmov s28;
	s28 =	sadd.s32 $0x1, s28  }
0x9c: {  	_ =	sdelay $0x3  }
0x9d: {  	v6 =	vand.u32 $0x7F, v6;
	[tilespmem:v5+s21+$0x0] =	vst.idx.msk $0xffff, v4;
	s0 =	sadd.s32 $0x40, s26  }
0x9e: {  	v4 =	vld [tilespmem:s0+$0xFFFFFFE0];
	v5 =	vadd.s32 v0, v6;
	_ =	sdelay $0x4  }
0x9f: {  	[tilespmem:v5+s21+$0x0] =	vst.idx.msk $0xffff, v4  }
0xa0: {  	v5 =	vadd.s32 v1, v6;
	v4 =	vld [tilespmem:s0+$0xFFFFFFF0];
	_ =	sdelay $0x4  }
0xa1: {  	[tilespmem:v5+s21+$0x0] =	vst.idx.msk $0xffff, v4  }
0xa2: {  	v5 =	vadd.s32 v2, v6;
	v4 =	vld [tilespmem:s0+$0x0];
	_ =	sdelay $0x4  }
0xa3: {  	[tilespmem:v5+s21+$0x0] =	vst.idx.msk $0xffff, v4  }
0xa4: {  	v5 =	vadd.s32 v3, v6;
	v4 =	vld [tilespmem:s0+$0x10]  }
0xa5: {  	s30 =	sadd.s32 s5, s25  }
0xa6: {  	s1 =	sshll.u32 s30, $0x7  }
0xa7: {  	s1 =	sand.u32 $0x3F80, s1;
	s0 =	sshll.u32 s30, $0xA  }
0xa8: {  	s1 =	sadd.s32 s2, s1;
	s0 =	sand.u32 $0xFFE0000, s0  }
0xa9: {  	s31 =	simm.s32 $0x6300;
	s0 =	sadd.s32 s0, s1;
	[tilespmem:v5+s21+$0x0] =	vst.idx.msk $0xffff, v4  }
0xaa: {  	[hbm4b:s0+s3] =	stream.linear.scatter [tilespmem:s31], [sflag:$0x6], $0x80, $0x38;
	[tilespmem:$0x8500] =	vst v63  }
0xab: {  	s25 =	simm.s32 $0x6388;
	s26 =	sadd.s32 $0x10, s0  }
0xac: {  	[hbm4b:s26+s3] =	stream.linear.scatter [tilespmem:s25], [sflag:$0x6], $0x80, $0x38;
	[tilespmem:$0x8500] =	vst v63  }
0xad: {  	s28 =	simm.s32 $0x2200;
	s30 =	simm.s32 $0x6410;
	s31 =	sadd.s32 $0x20, s0  }
0xae: {  	[hbm4b:s31+s3] =	stream.linear.scatter [tilespmem:s30], [sflag:$0x6], $0x80, $0x38;
	[tilespmem:$0x8500] =	vst v63  }
0xaf: {  	s29 =	simm.s32 $0x66B8;
	s25 =	simm.s32 $0x6498;
	s26 =	sadd.s32 $0x30, s0  }
0xb0: {  	[hbm4b:s26+s3] =	stream.linear.scatter [tilespmem:s25], [sflag:$0x6], $0x80, $0x38;
	[tilespmem:$0x8500] =	vst v63  }
0xb1: {  	s1 =	sadd.s32 $0x70, s0;
	s30 =	simm.s32 $0x6520;
	s31 =	sadd.s32 $0x40, s0  }
0xb2: {  	[hbm4b:s31+s3] =	stream.linear.scatter [tilespmem:s30], [sflag:$0x6], $0x80, $0x38;
	[tilespmem:$0x8500] =	vst v63  }
0xb3: {  	s25 =	simm.s32 $0x65A8;
	s26 =	sadd.s32 $0x50, s0;
	s30 =	simm.s32 $0x6630  }
0xb4: {  	[hbm4b:s26+s3] =	stream.linear.scatter [tilespmem:s25], [sflag:$0x6], $0x80, $0x38;
	[tilespmem:$0x8500] =	vst v63  }
0xb5: {  	s31 =	sadd.s32 $0x60, s0;
	s25 =	simm.s32 $0x440;
	s26 =	sadd.s32 $0x4000, s0  }
0xb6: {  	[hbm4b:s31+s3] =	stream.linear.scatter [tilespmem:s30], [sflag:$0x6], $0x80, $0x38;
	[tilespmem:$0x8500] =	vst v63  }
.LBB2_13:
0xb7: {  	[hbm4b:s1+s3] =	stream.linear.scatter [tilespmem:s29], [sflag:$0x6], $0x80, $0x38;
	[tilespmem:$0x8500] =	vst v63  }
0xb8: {  	s0 =	smov.u32 s25;
	s1 =	smov.u32 s28  }
0xb9: {  	s30 =	sadd.s32 $0x1100, s28;
	s25 =	sshra.s32 s1, $0x2;
	s1 =	sadd.s32 $0x6300, s0  }
0xba: {  	[hbm4b:s26+s3] =	stream.linear.scatter [tilespmem:s1], [sflag:$0x6], $0x80, $0x38;
	[tilespmem:$0x8500] =	vst v63  }
0xbb: {  	p0 =	sne.s32 s28, $0x7700;
	s28 =	sadd.s32 $0x10, s26;
	s1 =	sadd.s32 $0x6388, s0  }
0xbc: {  	[hbm4b:s28+s3] =	stream.linear.scatter [tilespmem:s1], [sflag:$0x6], $0x80, $0x38;
	[tilespmem:$0x8500] =	vst v63  }
0xbd: {  	s1 =	sadd.s32 $0x6410, s0;
	s28 =	sadd.s32 $0x20, s26  }
0xbe: {  	[hbm4b:s28+s3] =	stream.linear.scatter [tilespmem:s1], [sflag:$0x6], $0x80, $0x38;
	[tilespmem:$0x8500] =	vst v63  }
0xbf: {  	s1 =	sadd.s32 $0x6498, s0;
	s28 =	sadd.s32 $0x30, s26  }
0xc0: {  	[hbm4b:s28+s3] =	stream.linear.scatter [tilespmem:s1], [sflag:$0x6], $0x80, $0x38;
	[tilespmem:$0x8500] =	vst v63  }
0xc1: {  	s1 =	sadd.s32 $0x6520, s0;
	s28 =	sadd.s32 $0x40, s26  }
0xc2: {  	[hbm4b:s28+s3] =	stream.linear.scatter [tilespmem:s1], [sflag:$0x6], $0x80, $0x38;
	[tilespmem:$0x8500] =	vst v63  }
.Ltmp6:
0xc3: {  	s1 =	sadd.s32 $0x65A8, s0;
	s28 =	sadd.s32 $0x50, s26;
	(pc) =	sbr.rel @p0 .LBB2_13-.Ltmp6, $4  }
0xc4: {  	[hbm4b:s28+s3] =	stream.linear.scatter [tilespmem:s1], [sflag:$0x6], $0x80, $0x38;
	[tilespmem:$0x8500] =	vst v63  }
0xc5: {  	s29 =	sadd.s32 $0x66B8, s0;
	s1 =	sadd.s32 $0x6630, s0;
	s28 =	sadd.s32 $0x60, s26  }
0xc6: {  	[hbm4b:s28+s3] =	stream.linear.scatter [tilespmem:s1], [sflag:$0x6], $0x80, $0x38;
	[tilespmem:$0x8500] =	vst v63  }
0xc7: {  	s1 =	sadd.s32 $0x70, s26;
	s26 =	sadd.s32 $0x4000, s26;
	s28 =	smov.u32 s30  }
0xc8: {  	[hbm4b:s1+s3] =	stream.linear.scatter [tilespmem:s29], [sflag:$0x6], $0x80, $0x38;
	[tilespmem:$0x8500] =	vst v63  }
0xc9: {  	s0 =	sadd.s32 $0x6300, s25  }
0xca: {  	[hbm4b:s26+s3] =	stream.linear.scatter [tilespmem:s0], [sflag:$0x6], $0x80, $0x38;
	[tilespmem:$0x8500] =	vst v63  }
0xcb: {  	s30 =	sadd.s32 $0x6388, s25;
	s31 =	sadd.s32 $0x10, s26  }
0xcc: {  	[hbm4b:s31+s3] =	stream.linear.scatter [tilespmem:s30], [sflag:$0x6], $0x80, $0x38;
	[tilespmem:$0x8500] =	vst v63  }
0xcd: {  	s28 =	sadd.s32 $0x6410, s25;
	s29 =	sadd.s32 $0x20, s26  }
0xce: {  	[hbm4b:s29+s3] =	stream.linear.scatter [tilespmem:s28], [sflag:$0x6], $0x80, $0x38;
	[tilespmem:$0x8500] =	vst v63  }
0xcf: {  	s30 =	sadd.s32 $0x6498, s25;
	s31 =	sadd.s32 $0x30, s26  }
0xd0: {  	[hbm4b:s31+s3] =	stream.linear.scatter [tilespmem:s30], [sflag:$0x6], $0x80, $0x38;
	[tilespmem:$0x8500] =	vst v63  }
0xd1: {  	s24 =	sadd.s32 $0x1, s24;
	s28 =	sadd.s32 $0x6520, s25;
	s29 =	sadd.s32 $0x40, s26  }
0xd2: {  	[hbm4b:s29+s3] =	stream.linear.scatter [tilespmem:s28], [sflag:$0x6], $0x80, $0x38;
	[tilespmem:$0x8500] =	vst v63  }
0xd3: {  	p0 =	sne.s32 s24, $0x34;
	s30 =	sadd.s32 $0x65A8, s25;
	s31 =	sadd.s32 $0x50, s26  }
0xd4: {  	[hbm4b:s31+s3] =	stream.linear.scatter [tilespmem:s30], [sflag:$0x6], $0x80, $0x38;
	[tilespmem:$0x8500] =	vst v63  }
.Ltmp7:
0xd5: {  	_ = 	snop;
	(pc) =	sbr.rel @p0 .LBB2_2-.Ltmp7, $4  }
0xd6: {  	s28 =	sadd.s32 $0x6630, s25;
	s29 =	sadd.s32 $0x60, s26  }
0xd7: {  	[hbm4b:s29+s3] =	stream.linear.scatter [tilespmem:s28], [sflag:$0x6], $0x80, $0x38;
	[tilespmem:$0x8500] =	vst v63  }
0xd8: {  	s30 =	sadd.s32 $0x66B8, s25;
	s31 =	sadd.s32 $0x70, s26  }
0xd9: {  	[hbm4b:s31+s3] =	stream.linear.scatter [tilespmem:s30], [sflag:$0x6], $0x80, $0x38;
	[tilespmem:$0x8500] =	vst v63  }
0xda: {  	s23 =	sadd.s32 $0x1, s23  }
0xdb: {  	_ =	swait.ge [sflag:s22], $0x2000;
	p0 =	sne.s32 s23, s11  }
.Ltmp8:
0xdc: {  	[sflag:s22] =	ssyncset.done $0x0;
	(pc) =	sbr.rel @p0 .LBB2_1-.Ltmp8, $4  }
0xdd: {  	[sflag:s22] =	ssyncadd.s32 $0xFFFFE000  }
0xde: {  	_ =	swait.ge [sflag:s20], $0x2000  }
0xdf: {  	[sflag:s20] =	ssyncset.done $0x0  }
0xe0: {  	[sflag:s20] =	ssyncadd.s32 $0xFFFFE000  }
0xe1: {  	_ =	sfence.sel $0x180000  }
0xe2: {  	[bflag:$0x0] =	sbarrier.arrive $0xFFFF  }
0xe3: {  	_ =	strace $0x90000047  }
0xe4: {  	s0 =	stileid.u32;
	[bflag:$0x2] =	sbarrier.arrive $0xFFFF  }
0xe5: {  	p0 =	sne.s32 s0, $0x0;
	s0 =	rddreg [dreg:$0x2]  }
0xe6: {  	s0 =	sadd.s32 @!p0 $0x100000, s0  }
0xe7: {  	[sflag:s0] =	ssyncadd.tile.s32 @!p0 $0x1;
	_ =	shalt  }
.Lfunc_end2:
_tile_overlayer_lowered:
.L_overlay_start_2:
0xe8: {  	(tag) =	ssettag $0x2  }
0xe9: {  	s0 =	rddreg [dreg:$0x0];
	s2 =	stileid.u32  }
0xea: {  	s1 =	rddreg [dreg:$0x1];
	p0 =	sne.s32 s2, $0x0  }
0xeb: {  	s3 =	rddreg [dreg:$0x2];
	[bflag:$0x3] =	sbarrier.arrive $0xFFFF;
	s2 =	simm.s32 @!p0 $0x1C07  }
0xec: {  	[timem:s3], [sflag:s2] =	dma.local @!p0 [hbm:s0], s1  }
0xed: {  	s0 =	simm.s32 @!p0 $0x7  }
0xee: {  	_ =	swait.ge @!p0 [sflag:s0], s1  }
0xef: {  	s1 =	ssub.s32 @!p0 $0x0, s1;
	[sflag:s0] =	ssyncset.done @!p0 $0x0  }
0xf0: {  	[sflag:s0] =	ssyncadd.s32 @!p0 s1  }
0xf1: {  	[bflag:$0x3] =	sbarrier.arrive $0xFFFF  }
0xf2: {  	_ =	shalt  }

</sc_bundles>
